<compile_context>
chip_gen: v7x
topology: tpu7x:2x2x1
jax: 0.10.2.dev20260603
libtpu: 0.0.44.dev20260713+nightly
codegen_flags: <defaults>
</compile_context>

<pallas_src>
import jax
import jax.numpy as jnp
from jax import lax
from jax.experimental import pallas as pl
from jax.experimental.pallas import tpu as pltpu
from jax.experimental.pallas import tpu_sc as plsc

N_TILES = 32
ECHUNK = 128
HID = 128
H3 = 3 * HID



def _fill_const(ref, n_rows, value):
    val = jnp.full((16,), value, jnp.float32)

    def body(i, _):
        for k in range(HID // 16):
            ref[i, pl.ds(k * 16, 16)] = val
        return 0
    lax.fori_loop(0, n_rows, body, 0)


def _zero_acc_slice(zsrc_v, acc_s, s, rows_per_tile):
    for q in range(rows_per_tile // ECHUNK):
        pltpu.sync_copy(
            zsrc_v, acc_s.at[pl.ds(s * rows_per_tile + q * ECHUNK, ECHUNK)])


def _writeback(acc_s, out_hbm, c, s, rows_per_tile):
    npad = acc_s.shape[0]
    pltpu.sync_copy(acc_s.at[pl.ds(s * rows_per_tile, rows_per_tile)],
                    out_hbm.at[pl.ds(c * npad + s * rows_per_tile, rows_per_tile)])


def _deg_body(dst_hbm, out_hbm, ones_v, idx_v, acc_s):
    c = lax.axis_index("c")
    s = lax.axis_index("s")
    w = c * 16 + s
    chunks = idx_v.shape[0]
    rows_per_tile = acc_s.shape[0] // 16

    pltpu.sync_copy(dst_hbm.at[w], idx_v)

    _fill_const(ones_v, ECHUNK, 0.0)
    _zero_acc_slice(ones_v, acc_s, s, rows_per_tile)
    _fill_const(ones_v, ECHUNK, 1.0)
    plsc.subcore_barrier()

    def chunk(j, _):
        pltpu.sync_copy(ones_v, acc_s.at[idx_v.at[j]], add=True)
        return 0
    lax.fori_loop(0, chunks, chunk, 0)
    plsc.subcore_barrier()

    _writeback(acc_s, out_hbm, c, s, rows_per_tile)


def _edge_body(ys_hbm, src_hbm, dst_hbm, out_hbm,
               sidx_v, didx_v, rows_v, acc_s, sem):
    c = lax.axis_index("c")
    s = lax.axis_index("s")
    w = c * 16 + s
    chunks = sidx_v.shape[0]
    rows_per_tile = acc_s.shape[0] // 16

    pltpu.sync_copy(src_hbm.at[w], sidx_v)
    pltpu.sync_copy(dst_hbm.at[w], didx_v)

    _fill_const(rows_v, ECHUNK, 0.0)
    _zero_acc_slice(rows_v, acc_s, s, rows_per_tile)
    plsc.subcore_barrier()

    def chunk(j, _):
        pltpu.async_copy(ys_hbm.at[sidx_v.at[j]], rows_v, sem).wait()
        pltpu.sync_copy(rows_v, acc_s.at[didx_v.at[j]], add=True)
        return 0
    lax.fori_loop(0, chunks, chunk, 0)
    plsc.subcore_barrier()

    _writeback(acc_s, out_hbm, c, s, rows_per_tile)


def _make_sc_calls(npad, chunks):
    mesh = plsc.VectorSubcoreMesh(core_axis_name="c", subcore_axis_name="s")
    deg_call = pl.kernel(
        _deg_body,
        out_type=jax.ShapeDtypeStruct((2 * npad, HID), jnp.float32),
        mesh=mesh,
        scratch_types=[
            pltpu.VMEM((ECHUNK, HID), jnp.float32),
            pltpu.VMEM((chunks, ECHUNK), jnp.int32),
            pltpu.VMEM_SHARED((npad, HID), jnp.float32),
        ],
    )
    edge_call = pl.kernel(
        _edge_body,
        out_type=jax.ShapeDtypeStruct((2 * npad, HID), jnp.float32),
        mesh=mesh,
        scratch_types=[
            pltpu.VMEM((chunks, ECHUNK), jnp.int32),
            pltpu.VMEM((chunks, ECHUNK), jnp.int32),
            pltpu.VMEM((ECHUNK, HID), jnp.float32),
            pltpu.VMEM_SHARED((npad, HID), jnp.float32),
            pltpu.SemaphoreType.DMA,
        ],
    )
    return deg_call, edge_call



def _dinv(degp_ref):
    return lax.rsqrt(degp_ref[0, :, 0] + degp_ref[1, :, 0] + 1.0)


def _prep_body(x_ref, w_ref, degp_ref, o_ref):
    dinv = _dinv(degp_ref)
    y = jnp.dot(x_ref[...], w_ref[...], preferred_element_type=jnp.float32)
    o_ref[...] = y * dinv[:, None]


def _mid_body(acc_ref, ys_ref, degp_ref, b1_ref, w2_ref, o_ref):
    dinv = _dinv(degp_ref)
    h = (acc_ref[0] + acc_ref[1] + ys_ref[...]) * dinv[:, None] + b1_ref[0][None, :]
    h = jnp.maximum(h, 0.0)
    o_ref[...] = jnp.dot(h, w2_ref[...], preferred_element_type=jnp.float32) * dinv[:, None]


def _gi_body(acc_ref, ys_ref, degp_ref, b2_ref, wih_ref, bih_ref, o_ref):
    dinv = _dinv(degp_ref)
    h = (acc_ref[0] + acc_ref[1] + ys_ref[...]) * dinv[:, None] + b2_ref[0][None, :]
    h = jnp.maximum(h, 0.0)
    o_ref[...] = (jnp.dot(h, wih_ref[...], preferred_element_type=jnp.float32)
                  + bih_ref[0][None, :])


TSTEP = 8


def _gru_body(gi_ref, whh_ref, bhh_ref, o_ref, h_ref):
    t = pl.program_id(0)

    @pl.when(t == 0)
    def _():
        h_ref[...] = jnp.zeros_like(h_ref)

    h = h_ref[...]
    whh = whh_ref[...]
    bhh = bhh_ref[0][None, :]
    for i in range(TSTEP):
        g = gi_ref[:, i, :]
        gh = jnp.dot(h, whh, preferred_element_type=jnp.float32) + bhh
        r = jax.nn.sigmoid(g[:, :HID] + gh[:, :HID])
        z = jax.nn.sigmoid(g[:, HID:2 * HID] + gh[:, HID:2 * HID])
        n = jnp.tanh(g[:, 2 * HID:] + r * gh[:, 2 * HID:])
        h = (1.0 - z) * n + z * h
        o_ref[:, i, :] = h
    h_ref[...] = h



def kernel(x, edge_index, W1, b1, W2, b2, W_ih, W_hh, b_ih, b_hh):
    B, T, C = x.shape
    tpad = 512
    npad = B * tpad
    E = edge_index.shape[1]
    chunks = -(-E // (N_TILES * ECHUNK))
    epad = N_TILES * chunks * ECHUNK

    xf = jnp.pad(x, ((0, 0), (0, tpad - T), (0, 0))).reshape(npad, C)
    src = edge_index[0].astype(jnp.int32)
    dst = edge_index[1].astype(jnp.int32)
    srcp = (src // T) * tpad + (src % T)
    dstp = (dst // T) * tpad + (dst % T)
    srcp = jnp.concatenate([srcp, jnp.zeros((epad - E,), jnp.int32)])
    dstp = jnp.concatenate([dstp, jnp.full((epad - E,), T, jnp.int32)])
    src3 = srcp.reshape(N_TILES, chunks, ECHUNK)
    dst3 = dstp.reshape(N_TILES, chunks, ECHUNK)

    deg_call, edge_call = _make_sc_calls(npad, chunks)

    rows_blk = 1024
    grid = npad // rows_blk

    def tc_call(body, out_dim, *ops):
        specs = []
        for op in ops:
            if op.shape[0] == 2 and op.ndim == 3:
                specs.append(pl.BlockSpec((2, rows_blk, op.shape[2]),
                                          lambda i: (0, i, 0)))
            elif op.shape[0] == npad:
                specs.append(pl.BlockSpec((rows_blk, op.shape[1]),
                                          lambda i: (i, 0)))
            else:
                specs.append(pl.BlockSpec(op.shape, lambda i, nd=op.ndim: (0,) * nd))
        return pl.pallas_call(
            body,
            grid=(grid,),
            in_specs=specs,
            out_specs=pl.BlockSpec((rows_blk, out_dim), lambda i: (i, 0)),
            out_shape=jax.ShapeDtypeStruct((npad, out_dim), jnp.float32),
        )(*ops)

    degp = deg_call(dst3).reshape(2, npad, HID)
    ys1 = tc_call(_prep_body, HID, xf, W1, degp)
    acc1 = edge_call(ys1, src3, dst3).reshape(2, npad, HID)
    ys2 = tc_call(_mid_body, HID, acc1, ys1, degp, b1.reshape(1, HID), W2)
    acc2 = edge_call(ys2, src3, dst3).reshape(2, npad, HID)
    gi = tc_call(_gi_body, H3, acc2, ys2, degp, b2.reshape(1, HID),
                 W_ih.T, b_ih.reshape(1, H3))

    gi3 = gi.reshape(B, tpad, H3)

    return pl.pallas_call(
        _gru_body,
        grid=(-(-T // TSTEP),),
        in_specs=[
            pl.BlockSpec((B, TSTEP, H3), lambda t: (0, t, 0)),
            pl.BlockSpec((HID, H3), lambda t: (0, 0)),
            pl.BlockSpec((1, H3), lambda t: (0, 0)),
        ],
        out_specs=pl.BlockSpec((B, TSTEP, HID), lambda t: (0, t, 0)),
        out_shape=jax.ShapeDtypeStruct((B, T, HID), jnp.float32),
        scratch_shapes=[pltpu.VMEM((B, HID), jnp.float32)],
    )(gi3, W_hh.T, b_hh.reshape(1, H3))

# --- scband reference (transcript-rebuilt; emitter-appended) ---
"""Pipeline reference for scband-rgcc-62457414418470 (READ-ONLY COPY).

The authoritative reference and input builder live on the scoring server;
editing this copy changes nothing except your own understanding.
"""

import jax, jax.numpy as jnp
import numpy as np

N_NODES = 10000
B, T = 20, 500
IN_DIM = 128
HIDDEN = 128
N_EDGES = 320000


def _gcn_layer(x, src, dst, deg_inv_sqrt, W, b):
    # GCNConv: x' = D^{-1/2} (A + I) D^{-1/2} X W + b
    x = x @ W
    norm = deg_inv_sqrt[src] * deg_inv_sqrt[dst]
    msg = x[src] * norm[:, None]
    out = jnp.zeros_like(x).at[dst].add(msg)
    return out + b


def setup_inputs(seed: int = 0):
    key = jax.random.key(seed)
    ks = jax.random.split(key, 8)
    x = jax.random.normal(ks[0], (B, T, IN_DIM), dtype=jnp.float32)
    edge_index = jax.random.randint(ks[1], (2, N_EDGES), 0, N_NODES)
    W1 = jax.random.normal(ks[2], (IN_DIM, HIDDEN), dtype=jnp.float32) * (1.0 / np.sqrt(IN_DIM))
    b1 = jnp.zeros((HIDDEN,), dtype=jnp.float32)
    W2 = jax.random.normal(ks[3], (HIDDEN, HIDDEN), dtype=jnp.float32) * (1.0 / np.sqrt(HIDDEN))
    b2 = jnp.zeros((HIDDEN,), dtype=jnp.float32)
    W_ih = jax.random.normal(ks[4], (3 * HIDDEN, HIDDEN), dtype=jnp.float32) * (1.0 / np.sqrt(HIDDEN))
    W_hh = jax.random.normal(ks[5], (3 * HIDDEN, HIDDEN), dtype=jnp.float32) * (1.0 / np.sqrt(HIDDEN))
    b_ih = jnp.zeros((3 * HIDDEN,), dtype=jnp.float32)
    b_hh = jnp.zeros((3 * HIDDEN,), dtype=jnp.float32)
    return {"x": x, "edge_index": edge_index, "W1": W1, "b1": b1, "W2": W2, "b2": b2, "W_ih": W_ih, "W_hh": W_hh, "b_ih": b_ih, "b_hh": b_hh}


def reference(x, edge_index, W1, b1, W2, b2, W_ih, W_hh, b_ih, b_hh):
    Bx, Tx, C = x.shape
    N = Bx * Tx
    xf = x.reshape(N, C)
    # add self loops
    loop = jnp.arange(N, dtype=edge_index.dtype)
    src = jnp.concatenate([edge_index[0], loop])
    dst = jnp.concatenate([edge_index[1], loop])
    deg = jnp.zeros((N,), dtype=xf.dtype).at[dst].add(1.0)
    deg_inv_sqrt = deg ** -0.5  # deg >= 1 due to self loops
    h = jax.nn.relu(_gcn_layer(xf, src, dst, deg_inv_sqrt, W1, b1))
    h = jax.nn.relu(_gcn_layer(h, src, dst, deg_inv_sqrt, W2, b2))
    h = h.reshape(Bx, Tx, -1)
    # single-layer batch_first GRU (torch semantics)
    def step(hprev, xt):
        gi = xt @ W_ih.T + b_ih
        gh = hprev @ W_hh.T + b_hh
        i_r, i_z, i_n = jnp.split(gi, 3, axis=-1)
        h_r, h_z, h_n = jnp.split(gh, 3, axis=-1)
        r = jax.nn.sigmoid(i_r + h_r)
        z = jax.nn.sigmoid(i_z + h_z)
        n = jnp.tanh(i_n + r * h_n)
        hn = (1.0 - z) * n + z * hprev
        return hn, hn
    h0 = jnp.zeros((Bx, HIDDEN), dtype=h.dtype)
    _, ys = jax.lax.scan(step, h0, jnp.swapaxes(h, 0, 1))
    return jnp.swapaxes(ys, 0, 1)

if __name__ == "__main__":
    import jax
    _d = setup_inputs()
    print(jax.jit(kernel)(*tuple(_d.values())))

</pallas_src>

<mosaic_0001>
#map = affine_map<(d0, d1) -> (0, 0, 0)>
#map1 = affine_map<(d0, d1) -> (0, 0)>
module attributes {stable_mosaic.version = 14 : i64} {
  func.func @_deg_body(%arg0: i32, %arg1: i32, %arg2: memref<32x79x128xi32, #tpu.memory_space<hbm>>, %arg3: memref<20480x128xf32, #tpu.memory_space<hbm>>, %arg4: memref<128x128xf32, #tpu.memory_space<vmem>>, %arg5: memref<79x128xi32, #tpu.memory_space<vmem>>, %arg6: memref<10240x128xf32, #tpu.memory_space<vmem_shared>>) attributes {dimension_semantics = [#tpu.dimension_semantics<core_parallel>, #tpu.dimension_semantics<subcore_parallel>], iteration_bounds = array<i64: 2, 16>, scalar_prefetch = 0 : i64, scratch_operands = 3 : i64, tpu.core_type = #tpu.core_type<sc_vector_subcore>, window_params = [{transform_indices = #map}, {transform_indices = #map1}]} {
    %mul3A = arith.constant 16 : i32
    %mul3A_0 = arith.muli %arg0, %mul3A : i32
    %add3A = arith.addi %mul3A_0, %arg1 : i32
    "tpu.region"() ({
      %run_scoped3A = tpu.sem_alloc : memref<!tpu.dma_semaphore, #tpu.memory_space<semaphore_mem>>
      %dma_start3A = arith.constant 0 : i32
      %dma_start3A_52 = arith.constant 0 : i32
      %dma_start3A_53 = tpu.memref_slice %arg2[%add3A, %dma_start3A, %dma_start3A_52] : memref<32x79x128xi32, #tpu.memory_space<hbm>> -> memref<1x79x128xi32, #tpu.memory_space<hbm>>
      %dma_start3A_54 = tpu.memref_squeeze %dma_start3A_53 : memref<1x79x128xi32, #tpu.memory_space<hbm>> -> memref<79x128xi32, #tpu.memory_space<hbm>>
      %dma_start3A_55 = arith.constant 0 : i32
      %dma_start3A_56 = arith.constant 0 : i32
      %dma_start3A_57 = tpu.memref_slice %arg2[%add3A, %dma_start3A_55, %dma_start3A_56] : memref<32x79x128xi32, #tpu.memory_space<hbm>> -> memref<1x79x128xi32, #tpu.memory_space<hbm>>
      %dma_start3A_58 = tpu.memref_squeeze %dma_start3A_57 : memref<1x79x128xi32, #tpu.memory_space<hbm>> -> memref<79x128xi32, #tpu.memory_space<hbm>>
      tpu.enqueue_dma source(%dma_start3A_58 : memref<79x128xi32, #tpu.memory_space<hbm>>) target(%arg5 : memref<79x128xi32, #tpu.memory_space<vmem>>) target_semaphore(%run_scoped3A : memref<!tpu.dma_semaphore, #tpu.memory_space<semaphore_mem>>)
      %dma_wait3A = arith.constant 0 : i32
      %dma_wait3A_59 = arith.constant 0 : i32
      %dma_wait3A_60 = tpu.memref_slice %arg2[%add3A, %dma_wait3A, %dma_wait3A_59] : memref<32x79x128xi32, #tpu.memory_space<hbm>> -> memref<1x79x128xi32, #tpu.memory_space<hbm>>
      %dma_wait3A_61 = tpu.memref_squeeze %dma_wait3A_60 : memref<1x79x128xi32, #tpu.memory_space<hbm>> -> memref<79x128xi32, #tpu.memory_space<hbm>>
      %dma_wait3A_62 = arith.constant 0 : i32
      %dma_wait3A_63 = arith.constant 0 : i32
      %dma_wait3A_64 = tpu.memref_slice %arg2[%add3A, %dma_wait3A_62, %dma_wait3A_63] : memref<32x79x128xi32, #tpu.memory_space<hbm>> -> memref<1x79x128xi32, #tpu.memory_space<hbm>>
      %dma_wait3A_65 = tpu.memref_squeeze %dma_wait3A_64 : memref<1x79x128xi32, #tpu.memory_space<hbm>> -> memref<79x128xi32, #tpu.memory_space<hbm>>
      tpu.wait_dma2 semaphore(%run_scoped3A : memref<!tpu.dma_semaphore, #tpu.memory_space<semaphore_mem>>) src(%dma_wait3A_65 : memref<79x128xi32, #tpu.memory_space<hbm>>) dst(%arg5 : memref<79x128xi32, #tpu.memory_space<vmem>>)
      tpu.yield
    }) : () -> ()
    %broadcast_in_dim3A = arith.constant 0.000000e+00 : f32
    %broadcast_in_dim3A_1 = vector.broadcast %broadcast_in_dim3A : f32 to vector<16xf32>
    %scan3A = arith.constant 0 : i32
    %scan3A_2 = arith.constant 0 : i32
    %scan3A_3 = arith.constant 128 : i32
    %scan3A_4 = arith.addi %scan3A_2, %scan3A_3 : i32
    %scan3A_5 = arith.constant 1 : i32
    %scan3A_6 = scf.for %scan3A_52 = %scan3A_2 to %scan3A_4 step %scan3A_5 iter_args(%scan3A_53 = %scan3A) -> (i32)  : i32 {
      %swap3A = arith.index_cast %scan3A_52 : i32 to index
      %swap3A_54 = arith.constant 0 : index
      %swap3A_55 = tpu.vector_load %arg4[%swap3A, %swap3A_54] {strides = array<i32>} : memref<128x128xf32, #tpu.memory_space<vmem>>, vector<1x16xf32>,
      %swap3A_56 = vector.shape_cast %swap3A_55 : vector<1x16xf32> to vector<16xf32>
      %swap3A_57 = vector.shape_cast %broadcast_in_dim3A_1 : vector<16xf32> to vector<1x16xf32>
      tpu.vector_store %arg4[%swap3A, %swap3A_54], %swap3A_57 {strides = array<i32>} : memref<128x128xf32, #tpu.memory_space<vmem>>, vector<1x16xf32>,
      %swap3A_58 = arith.index_cast %scan3A_52 : i32 to index
      %swap3A_59 = arith.constant 16 : index
      %swap3A_60 = tpu.vector_load %arg4[%swap3A_58, %swap3A_59] {strides = array<i32>} : memref<128x128xf32, #tpu.memory_space<vmem>>, vector<1x16xf32>,
      %swap3A_61 = vector.shape_cast %swap3A_60 : vector<1x16xf32> to vector<16xf32>
      %swap3A_62 = vector.shape_cast %broadcast_in_dim3A_1 : vector<16xf32> to vector<1x16xf32>
      tpu.vector_store %arg4[%swap3A_58, %swap3A_59], %swap3A_62 {strides = array<i32>} : memref<128x128xf32, #tpu.memory_space<vmem>>, vector<1x16xf32>,
      %swap3A_63 = arith.index_cast %scan3A_52 : i32 to index
      %swap3A_64 = arith.constant 32 : index
      %swap3A_65 = tpu.vector_load %arg4[%swap3A_63, %swap3A_64] {strides = array<i32>} : memref<128x128xf32, #tpu.memory_space<vmem>>, vector<1x16xf32>,
      %swap3A_66 = vector.shape_cast %swap3A_65 : vector<1x16xf32> to vector<16xf32>
      %swap3A_67 = vector.shape_cast %broadcast_in_dim3A_1 : vector<16xf32> to vector<1x16xf32>
      tpu.vector_store %arg4[%swap3A_63, %swap3A_64], %swap3A_67 {strides = array<i32>} : memref<128x128xf32, #tpu.memory_space<vmem>>, vector<1x16xf32>,
      %swap3A_68 = arith.index_cast %scan3A_52 : i32 to index
      %swap3A_69 = arith.constant 48 : index
      %swap3A_70 = tpu.vector_load %arg4[%swap3A_68, %swap3A_69] {strides = array<i32>} : memref<128x128xf32, #tpu.memory_space<vmem>>, vector<1x16xf32>,
      %swap3A_71 = vector.shape_cast %swap3A_70 : vector<1x16xf32> to vector<16xf32>
      %swap3A_72 = vector.shape_cast %broadcast_in_dim3A_1 : vector<16xf32> to vector<1x16xf32>
      tpu.vector_store %arg4[%swap3A_68, %swap3A_69], %swap3A_72 {strides = array<i32>} : memref<128x128xf32, #tpu.memory_space<vmem>>, vector<1x16xf32>,
      %swap3A_73 = arith.index_cast %scan3A_52 : i32 to index
      %swap3A_74 = arith.constant 64 : index
      %swap3A_75 = tpu.vector_load %arg4[%swap3A_73, %swap3A_74] {strides = array<i32>} : memref<128x128xf32, #tpu.memory_space<vmem>>, vector<1x16xf32>,
      %swap3A_76 = vector.shape_cast %swap3A_75 : vector<1x16xf32> to vector<16xf32>
      %swap3A_77 = vector.shape_cast %broadcast_in_dim3A_1 : vector<16xf32> to vector<1x16xf32>
      tpu.vector_store %arg4[%swap3A_73, %swap3A_74], %swap3A_77 {strides = array<i32>} : memref<128x128xf32, #tpu.memory_space<vmem>>, vector<1x16xf32>,
      %swap3A_78 = arith.index_cast %scan3A_52 : i32 to index
      %swap3A_79 = arith.constant 80 : index
      %swap3A_80 = tpu.vector_load %arg4[%swap3A_78, %swap3A_79] {strides = array<i32>} : memref<128x128xf32, #tpu.memory_space<vmem>>, vector<1x16xf32>,
      %swap3A_81 = vector.shape_cast %swap3A_80 : vector<1x16xf32> to vector<16xf32>
      %swap3A_82 = vector.shape_cast %broadcast_in_dim3A_1 : vector<16xf32> to vector<1x16xf32>
      tpu.vector_store %arg4[%swap3A_78, %swap3A_79], %swap3A_82 {strides = array<i32>} : memref<128x128xf32, #tpu.memory_space<vmem>>, vector<1x16xf32>,
      %swap3A_83 = arith.index_cast %scan3A_52 : i32 to index
      %swap3A_84 = arith.constant 96 : index
      %swap3A_85 = tpu.vector_load %arg4[%swap3A_83, %swap3A_84] {strides = array<i32>} : memref<128x128xf32, #tpu.memory_space<vmem>>, vector<1x16xf32>,
      %swap3A_86 = vector.shape_cast %swap3A_85 : vector<1x16xf32> to vector<16xf32>
      %swap3A_87 = vector.shape_cast %broadcast_in_dim3A_1 : vector<16xf32> to vector<1x16xf32>
      tpu.vector_store %arg4[%swap3A_83, %swap3A_84], %swap3A_87 {strides = array<i32>} : memref<128x128xf32, #tpu.memory_space<vmem>>, vector<1x16xf32>,
      %swap3A_88 = arith.index_cast %scan3A_52 : i32 to index
      %swap3A_89 = arith.constant 112 : index
      %swap3A_90 = tpu.vector_load %arg4[%swap3A_88, %swap3A_89] {strides = array<i32>} : memref<128x128xf32, #tpu.memory_space<vmem>>, vector<1x16xf32>,
      %swap3A_91 = vector.shape_cast %swap3A_90 : vector<1x16xf32> to vector<16xf32>
      %swap3A_92 = vector.shape_cast %broadcast_in_dim3A_1 : vector<16xf32> to vector<1x16xf32>
      tpu.vector_store %arg4[%swap3A_88, %swap3A_89], %swap3A_92 {strides = array<i32>} : memref<128x128xf32, #tpu.memory_space<vmem>>, vector<1x16xf32>,
      %scan3A_93 = arith.constant 0 : i32
      scf.yield %scan3A_93 : i32
    }
    %scan3A_7 = arith.constant 128 : i32
    %mul3A_8 = arith.constant 640 : i32
    %mul3A_9 = arith.muli %arg1, %mul3A_8 : i32
    %add3A_10 = arith.constant 0 : i32
    %add3A_11 = arith.addi %mul3A_9, %add3A_10 : i32
    "tpu.region"() ({
      %run_scoped3A = tpu.sem_alloc : memref<!tpu.dma_semaphore, #tpu.memory_space<semaphore_mem>>
      %dma_start3A = arith.constant 0 : i32
      %dma_start3A_52 = tpu.memref_slice %arg6[%add3A_11, %dma_start3A] : memref<10240x128xf32, #tpu.memory_space<vmem_shared>> -> memref<128x128xf32, #tpu.memory_space<vmem_shared>>
      %dma_start3A_53 = arith.constant 0 : i32
      %dma_start3A_54 = tpu.memref_slice %arg6[%add3A_11, %dma_start3A_53] : memref<10240x128xf32, #tpu.memory_space<vmem_shared>> -> memref<128x128xf32, #tpu.memory_space<vmem_shared>>
      tpu.enqueue_dma source(%arg4 : memref<128x128xf32, #tpu.memory_space<vmem>>) target(%dma_start3A_54 : memref<128x128xf32, #tpu.memory_space<vmem_shared>>) target_semaphore(%run_scoped3A : memref<!tpu.dma_semaphore, #tpu.memory_space<semaphore_mem>>)
      %dma_wait3A = arith.constant 0 : i32
      %dma_wait3A_55 = tpu.memref_slice %arg6[%add3A_11, %dma_wait3A] : memref<10240x128xf32, #tpu.memory_space<vmem_shared>> -> memref<128x128xf32, #tpu.memory_space<vmem_shared>>
      %dma_wait3A_56 = arith.constant 0 : i32
      %dma_wait3A_57 = tpu.memref_slice %arg6[%add3A_11, %dma_wait3A_56] : memref<10240x128xf32, #tpu.memory_space<vmem_shared>> -> memref<128x128xf32, #tpu.memory_space<vmem_shared>>
      tpu.wait_dma2 semaphore(%run_scoped3A : memref<!tpu.dma_semaphore, #tpu.memory_space<semaphore_mem>>) src(%arg4 : memref<128x128xf32, #tpu.memory_space<vmem>>) dst(%dma_wait3A_57 : memref<128x128xf32, #tpu.memory_space<vmem_shared>>)
      tpu.yield
    }) : () -> ()
    %mul3A_12 = arith.constant 640 : i32
    %mul3A_13 = arith.muli %arg1, %mul3A_12 : i32
    %add3A_14 = arith.constant 128 : i32
    %add3A_15 = arith.addi %mul3A_13, %add3A_14 : i32
    "tpu.region"() ({
      %run_scoped3A = tpu.sem_alloc : memref<!tpu.dma_semaphore, #tpu.memory_space<semaphore_mem>>
      %dma_start3A = arith.constant 0 : i32
      %dma_start3A_52 = tpu.memref_slice %arg6[%add3A_15, %dma_start3A] : memref<10240x128xf32, #tpu.memory_space<vmem_shared>> -> memref<128x128xf32, #tpu.memory_space<vmem_shared>>
      %dma_start3A_53 = arith.constant 0 : i32
      %dma_start3A_54 = tpu.memref_slice %arg6[%add3A_15, %dma_start3A_53] : memref<10240x128xf32, #tpu.memory_space<vmem_shared>> -> memref<128x128xf32, #tpu.memory_space<vmem_shared>>
      tpu.enqueue_dma source(%arg4 : memref<128x128xf32, #tpu.memory_space<vmem>>) target(%dma_start3A_54 : memref<128x128xf32, #tpu.memory_space<vmem_shared>>) target_semaphore(%run_scoped3A : memref<!tpu.dma_semaphore, #tpu.memory_space<semaphore_mem>>)
      %dma_wait3A = arith.constant 0 : i32
      %dma_wait3A_55 = tpu.memref_slice %arg6[%add3A_15, %dma_wait3A] : memref<10240x128xf32, #tpu.memory_space<vmem_shared>> -> memref<128x128xf32, #tpu.memory_space<vmem_shared>>
      %dma_wait3A_56 = arith.constant 0 : i32
      %dma_wait3A_57 = tpu.memref_slice %arg6[%add3A_15, %dma_wait3A_56] : memref<10240x128xf32, #tpu.memory_space<vmem_shared>> -> memref<128x128xf32, #tpu.memory_space<vmem_shared>>
      tpu.wait_dma2 semaphore(%run_scoped3A : memref<!tpu.dma_semaphore, #tpu.memory_space<semaphore_mem>>) src(%arg4 : memref<128x128xf32, #tpu.memory_space<vmem>>) dst(%dma_wait3A_57 : memref<128x128xf32, #tpu.memory_space<vmem_shared>>)
      tpu.yield
    }) : () -> ()
    %mul3A_16 = arith.constant 640 : i32
    %mul3A_17 = arith.muli %arg1, %mul3A_16 : i32
    %add3A_18 = arith.constant 256 : i32
    %add3A_19 = arith.addi %mul3A_17, %add3A_18 : i32
    "tpu.region"() ({
      %run_scoped3A = tpu.sem_alloc : memref<!tpu.dma_semaphore, #tpu.memory_space<semaphore_mem>>
      %dma_start3A = arith.constant 0 : i32
      %dma_start3A_52 = tpu.memref_slice %arg6[%add3A_19, %dma_start3A] : memref<10240x128xf32, #tpu.memory_space<vmem_shared>> -> memref<128x128xf32, #tpu.memory_space<vmem_shared>>
      %dma_start3A_53 = arith.constant 0 : i32
      %dma_start3A_54 = tpu.memref_slice %arg6[%add3A_19, %dma_start3A_53] : memref<10240x128xf32, #tpu.memory_space<vmem_shared>> -> memref<128x128xf32, #tpu.memory_space<vmem_shared>>
      tpu.enqueue_dma source(%arg4 : memref<128x128xf32, #tpu.memory_space<vmem>>) target(%dma_start3A_54 : memref<128x128xf32, #tpu.memory_space<vmem_shared>>) target_semaphore(%run_scoped3A : memref<!tpu.dma_semaphore, #tpu.memory_space<semaphore_mem>>)
      %dma_wait3A = arith.constant 0 : i32
      %dma_wait3A_55 = tpu.memref_slice %arg6[%add3A_19, %dma_wait3A] : memref<10240x128xf32, #tpu.memory_space<vmem_shared>> -> memref<128x128xf32, #tpu.memory_space<vmem_shared>>
      %dma_wait3A_56 = arith.constant 0 : i32
      %dma_wait3A_57 = tpu.memref_slice %arg6[%add3A_19, %dma_wait3A_56] : memref<10240x128xf32, #tpu.memory_space<vmem_shared>> -> memref<128x128xf32, #tpu.memory_space<vmem_shared>>
      tpu.wait_dma2 semaphore(%run_scoped3A : memref<!tpu.dma_semaphore, #tpu.memory_space<semaphore_mem>>) src(%arg4 : memref<128x128xf32, #tpu.memory_space<vmem>>) dst(%dma_wait3A_57 : memref<128x128xf32, #tpu.memory_space<vmem_shared>>)
      tpu.yield
    }) : () -> ()
    %mul3A_20 = arith.constant 640 : i32
    %mul3A_21 = arith.muli %arg1, %mul3A_20 : i32
    %add3A_22 = arith.constant 384 : i32
    %add3A_23 = arith.addi %mul3A_21, %add3A_22 : i32
    "tpu.region"() ({
      %run_scoped3A = tpu.sem_alloc : memref<!tpu.dma_semaphore, #tpu.memory_space<semaphore_mem>>
      %dma_start3A = arith.constant 0 : i32
      %dma_start3A_52 = tpu.memref_slice %arg6[%add3A_23, %dma_start3A] : memref<10240x128xf32, #tpu.memory_space<vmem_shared>> -> memref<128x128xf32, #tpu.memory_space<vmem_shared>>
      %dma_start3A_53 = arith.constant 0 : i32
      %dma_start3A_54 = tpu.memref_slice %arg6[%add3A_23, %dma_start3A_53] : memref<10240x128xf32, #tpu.memory_space<vmem_shared>> -> memref<128x128xf32, #tpu.memory_space<vmem_shared>>
      tpu.enqueue_dma source(%arg4 : memref<128x128xf32, #tpu.memory_space<vmem>>) target(%dma_start3A_54 : memref<128x128xf32, #tpu.memory_space<vmem_shared>>) target_semaphore(%run_scoped3A : memref<!tpu.dma_semaphore, #tpu.memory_space<semaphore_mem>>)
      %dma_wait3A = arith.constant 0 : i32
      %dma_wait3A_55 = tpu.memref_slice %arg6[%add3A_23, %dma_wait3A] : memref<10240x128xf32, #tpu.memory_space<vmem_shared>> -> memref<128x128xf32, #tpu.memory_space<vmem_shared>>
      %dma_wait3A_56 = arith.constant 0 : i32
      %dma_wait3A_57 = tpu.memref_slice %arg6[%add3A_23, %dma_wait3A_56] : memref<10240x128xf32, #tpu.memory_space<vmem_shared>> -> memref<128x128xf32, #tpu.memory_space<vmem_shared>>
      tpu.wait_dma2 semaphore(%run_scoped3A : memref<!tpu.dma_semaphore, #tpu.memory_space<semaphore_mem>>) src(%arg4 : memref<128x128xf32, #tpu.memory_space<vmem>>) dst(%dma_wait3A_57 : memref<128x128xf32, #tpu.memory_space<vmem_shared>>)
      tpu.yield
    }) : () -> ()
    %mul3A_24 = arith.constant 640 : i32
    %mul3A_25 = arith.muli %arg1, %mul3A_24 : i32
    %add3A_26 = arith.constant 512 : i32
    %add3A_27 = arith.addi %mul3A_25, %add3A_26 : i32
    "tpu.region"() ({
      %run_scoped3A = tpu.sem_alloc : memref<!tpu.dma_semaphore, #tpu.memory_space<semaphore_mem>>
      %dma_start3A = arith.constant 0 : i32
      %dma_start3A_52 = tpu.memref_slice %arg6[%add3A_27, %dma_start3A] : memref<10240x128xf32, #tpu.memory_space<vmem_shared>> -> memref<128x128xf32, #tpu.memory_space<vmem_shared>>
      %dma_start3A_53 = arith.constant 0 : i32
      %dma_start3A_54 = tpu.memref_slice %arg6[%add3A_27, %dma_start3A_53] : memref<10240x128xf32, #tpu.memory_space<vmem_shared>> -> memref<128x128xf32, #tpu.memory_space<vmem_shared>>
      tpu.enqueue_dma source(%arg4 : memref<128x128xf32, #tpu.memory_space<vmem>>) target(%dma_start3A_54 : memref<128x128xf32, #tpu.memory_space<vmem_shared>>) target_semaphore(%run_scoped3A : memref<!tpu.dma_semaphore, #tpu.memory_space<semaphore_mem>>)
      %dma_wait3A = arith.constant 0 : i32
      %dma_wait3A_55 = tpu.memref_slice %arg6[%add3A_27, %dma_wait3A] : memref<10240x128xf32, #tpu.memory_space<vmem_shared>> -> memref<128x128xf32, #tpu.memory_space<vmem_shared>>
      %dma_wait3A_56 = arith.constant 0 : i32
      %dma_wait3A_57 = tpu.memref_slice %arg6[%add3A_27, %dma_wait3A_56] : memref<10240x128xf32, #tpu.memory_space<vmem_shared>> -> memref<128x128xf32, #tpu.memory_space<vmem_shared>>
      tpu.wait_dma2 semaphore(%run_scoped3A : memref<!tpu.dma_semaphore, #tpu.memory_space<semaphore_mem>>) src(%arg4 : memref<128x128xf32, #tpu.memory_space<vmem>>) dst(%dma_wait3A_57 : memref<128x128xf32, #tpu.memory_space<vmem_shared>>)
      tpu.yield
    }) : () -> ()
    %broadcast_in_dim3A_28 = arith.constant 1.000000e+00 : f32
    %broadcast_in_dim3A_29 = vector.broadcast %broadcast_in_dim3A_28 : f32 to vector<16xf32>
    %scan3A_30 = arith.constant 0 : i32
    %scan3A_31 = arith.constant 0 : i32
    %scan3A_32 = arith.constant 128 : i32
    %scan3A_33 = arith.addi %scan3A_31, %scan3A_32 : i32
    %scan3A_34 = arith.constant 1 : i32
    %scan3A_35 = scf.for %scan3A_52 = %scan3A_31 to %scan3A_33 step %scan3A_34 iter_args(%scan3A_53 = %scan3A_30) -> (i32)  : i32 {
      %swap3A = arith.index_cast %scan3A_52 : i32 to index
      %swap3A_54 = arith.constant 0 : index
      %swap3A_55 = tpu.vector_load %arg4[%swap3A, %swap3A_54] {strides = array<i32>} : memref<128x128xf32, #tpu.memory_space<vmem>>, vector<1x16xf32>,
      %swap3A_56 = vector.shape_cast %swap3A_55 : vector<1x16xf32> to vector<16xf32>
      %swap3A_57 = vector.shape_cast %broadcast_in_dim3A_29 : vector<16xf32> to vector<1x16xf32>
      tpu.vector_store %arg4[%swap3A, %swap3A_54], %swap3A_57 {strides = array<i32>} : memref<128x128xf32, #tpu.memory_space<vmem>>, vector<1x16xf32>,
      %swap3A_58 = arith.index_cast %scan3A_52 : i32 to index
      %swap3A_59 = arith.constant 16 : index
      %swap3A_60 = tpu.vector_load %arg4[%swap3A_58, %swap3A_59] {strides = array<i32>} : memref<128x128xf32, #tpu.memory_space<vmem>>, vector<1x16xf32>,
      %swap3A_61 = vector.shape_cast %swap3A_60 : vector<1x16xf32> to vector<16xf32>
      %swap3A_62 = vector.shape_cast %broadcast_in_dim3A_29 : vector<16xf32> to vector<1x16xf32>
      tpu.vector_store %arg4[%swap3A_58, %swap3A_59], %swap3A_62 {strides = array<i32>} : memref<128x128xf32, #tpu.memory_space<vmem>>, vector<1x16xf32>,
      %swap3A_63 = arith.index_cast %scan3A_52 : i32 to index
      %swap3A_64 = arith.constant 32 : index
      %swap3A_65 = tpu.vector_load %arg4[%swap3A_63, %swap3A_64] {strides = array<i32>} : memref<128x128xf32, #tpu.memory_space<vmem>>, vector<1x16xf32>,
      %swap3A_66 = vector.shape_cast %swap3A_65 : vector<1x16xf32> to vector<16xf32>
      %swap3A_67 = vector.shape_cast %broadcast_in_dim3A_29 : vector<16xf32> to vector<1x16xf32>
      tpu.vector_store %arg4[%swap3A_63, %swap3A_64], %swap3A_67 {strides = array<i32>} : memref<128x128xf32, #tpu.memory_space<vmem>>, vector<1x16xf32>,
      %swap3A_68 = arith.index_cast %scan3A_52 : i32 to index
      %swap3A_69 = arith.constant 48 : index
      %swap3A_70 = tpu.vector_load %arg4[%swap3A_68, %swap3A_69] {strides = array<i32>} : memref<128x128xf32, #tpu.memory_space<vmem>>, vector<1x16xf32>,
      %swap3A_71 = vector.shape_cast %swap3A_70 : vector<1x16xf32> to vector<16xf32>
      %swap3A_72 = vector.shape_cast %broadcast_in_dim3A_29 : vector<16xf32> to vector<1x16xf32>
      tpu.vector_store %arg4[%swap3A_68, %swap3A_69], %swap3A_72 {strides = array<i32>} : memref<128x128xf32, #tpu.memory_space<vmem>>, vector<1x16xf32>,
      %swap3A_73 = arith.index_cast %scan3A_52 : i32 to index
      %swap3A_74 = arith.constant 64 : index
      %swap3A_75 = tpu.vector_load %arg4[%swap3A_73, %swap3A_74] {strides = array<i32>} : memref<128x128xf32, #tpu.memory_space<vmem>>, vector<1x16xf32>,
      %swap3A_76 = vector.shape_cast %swap3A_75 : vector<1x16xf32> to vector<16xf32>
      %swap3A_77 = vector.shape_cast %broadcast_in_dim3A_29 : vector<16xf32> to vector<1x16xf32>
      tpu.vector_store %arg4[%swap3A_73, %swap3A_74], %swap3A_77 {strides = array<i32>} : memref<128x128xf32, #tpu.memory_space<vmem>>, vector<1x16xf32>,
      %swap3A_78 = arith.index_cast %scan3A_52 : i32 to index
      %swap3A_79 = arith.constant 80 : index
      %swap3A_80 = tpu.vector_load %arg4[%swap3A_78, %swap3A_79] {strides = array<i32>} : memref<128x128xf32, #tpu.memory_space<vmem>>, vector<1x16xf32>,
      %swap3A_81 = vector.shape_cast %swap3A_80 : vector<1x16xf32> to vector<16xf32>
      %swap3A_82 = vector.shape_cast %broadcast_in_dim3A_29 : vector<16xf32> to vector<1x16xf32>
      tpu.vector_store %arg4[%swap3A_78, %swap3A_79], %swap3A_82 {strides = array<i32>} : memref<128x128xf32, #tpu.memory_space<vmem>>, vector<1x16xf32>,
      %swap3A_83 = arith.index_cast %scan3A_52 : i32 to index
      %swap3A_84 = arith.constant 96 : index
      %swap3A_85 = tpu.vector_load %arg4[%swap3A_83, %swap3A_84] {strides = array<i32>} : memref<128x128xf32, #tpu.memory_space<vmem>>, vector<1x16xf32>,
      %swap3A_86 = vector.shape_cast %swap3A_85 : vector<1x16xf32> to vector<16xf32>
      %swap3A_87 = vector.shape_cast %broadcast_in_dim3A_29 : vector<16xf32> to vector<1x16xf32>
      tpu.vector_store %arg4[%swap3A_83, %swap3A_84], %swap3A_87 {strides = array<i32>} : memref<128x128xf32, #tpu.memory_space<vmem>>, vector<1x16xf32>,
      %swap3A_88 = arith.index_cast %scan3A_52 : i32 to index
      %swap3A_89 = arith.constant 112 : index
      %swap3A_90 = tpu.vector_load %arg4[%swap3A_88, %swap3A_89] {strides = array<i32>} : memref<128x128xf32, #tpu.memory_space<vmem>>, vector<1x16xf32>,
      %swap3A_91 = vector.shape_cast %swap3A_90 : vector<1x16xf32> to vector<16xf32>
      %swap3A_92 = vector.shape_cast %broadcast_in_dim3A_29 : vector<16xf32> to vector<1x16xf32>
      tpu.vector_store %arg4[%swap3A_88, %swap3A_89], %swap3A_92 {strides = array<i32>} : memref<128x128xf32, #tpu.memory_space<vmem>>, vector<1x16xf32>,
      %scan3A_93 = arith.constant 0 : i32
      scf.yield %scan3A_93 : i32
    }
    %scan3A_36 = arith.constant 128 : i32
    %barrier3A = arith.constant 0 : index
    tpu.barrier barrier_id(%barrier3A)
    %scan3A_37 = arith.constant 0 : i32
    %scan3A_38 = arith.constant 0 : i32
    %scan3A_39 = arith.constant 79 : i32
    %scan3A_40 = arith.addi %scan3A_38, %scan3A_39 : i32
    %scan3A_41 = arith.constant 1 : i32
    %scan3A_42 = scf.for %scan3A_52 = %scan3A_38 to %scan3A_40 step %scan3A_41 iter_args(%scan3A_53 = %scan3A_37) -> (i32)  : i32 {
      "tpu.region"() ({
        %run_scoped3A = tpu.sem_alloc : memref<!tpu.dma_semaphore, #tpu.memory_space<semaphore_mem>>
        %dma_start3A = arith.constant 0 : i32
        %dma_start3A_55 = tpu.memref_slice %arg5[%scan3A_52, %dma_start3A] : memref<79x128xi32, #tpu.memory_space<vmem>> -> memref<1x128xi32, #tpu.memory_space<vmem>>
        %dma_start3A_56 = tpu.memref_squeeze %dma_start3A_55 : memref<1x128xi32, #tpu.memory_space<vmem>> -> memref<128xi32, #tpu.memory_space<vmem>>
        %dma_start3A_57 = arith.constant 0 : i32
        %dma_start3A_58 = arith.constant 0 : i32
        %dma_start3A_59 = tpu.memref_slice %arg6[%dma_start3A_57, %dma_start3A_58] : memref<10240x128xf32, #tpu.memory_space<vmem_shared>> -> memref<10240x128xf32, #tpu.memory_space<vmem_shared>>
        tpu.enqueue_indirect_dma source(%arg4 : memref<128x128xf32, #tpu.memory_space<vmem>>) target(%dma_start3A_59 : memref<10240x128xf32, #tpu.memory_space<vmem_shared>>) offsets(%dma_start3A_56 : memref<128xi32, #tpu.memory_space<vmem>>) semaphore(%run_scoped3A : memref<!tpu.dma_semaphore, #tpu.memory_space<semaphore_mem>>) {add = true}
        %dma_wait3A = arith.constant 0 : i32
        %dma_wait3A_60 = tpu.memref_slice %arg5[%scan3A_52, %dma_wait3A] : memref<79x128xi32, #tpu.memory_space<vmem>> -> memref<1x128xi32, #tpu.memory_space<vmem>>
        %dma_wait3A_61 = tpu.memref_squeeze %dma_wait3A_60 : memref<1x128xi32, #tpu.memory_space<vmem>> -> memref<128xi32, #tpu.memory_space<vmem>>
        %dma_wait3A_62 = arith.constant 0 : i32
        %dma_wait3A_63 = arith.constant 0 : i32
        %dma_wait3A_64 = tpu.memref_slice %arg6[%dma_wait3A_62, %dma_wait3A_63] : memref<10240x128xf32, #tpu.memory_space<vmem_shared>> -> memref<10240x128xf32, #tpu.memory_space<vmem_shared>>
        tpu.wait_indirect_dma semaphore(%run_scoped3A : memref<!tpu.dma_semaphore, #tpu.memory_space<semaphore_mem>>) src(%arg4 : memref<128x128xf32, #tpu.memory_space<vmem>>) dst(%dma_wait3A_64 : memref<10240x128xf32, #tpu.memory_space<vmem_shared>>)
        tpu.yield
      }) : () -> ()
      %scan3A_54 = arith.constant 0 : i32
      scf.yield %scan3A_54 : i32
    }
    %scan3A_43 = arith.constant 79 : i32
    %barrier3A_44 = arith.constant 0 : index
    tpu.barrier barrier_id(%barrier3A_44)
    %mul3A_45 = arith.constant 640 : i32
    %mul3A_46 = arith.muli %arg1, %mul3A_45 : i32
    %mul3A_47 = arith.constant 10240 : i32
    %mul3A_48 = arith.muli %arg0, %mul3A_47 : i32
    %mul3A_49 = arith.constant 640 : i32
    %mul3A_50 = arith.muli %arg1, %mul3A_49 : i32
    %add3A_51 = arith.addi %mul3A_48, %mul3A_50 : i32
    "tpu.region"() ({
      %run_scoped3A = tpu.sem_alloc : memref<!tpu.dma_semaphore, #tpu.memory_space<semaphore_mem>>
      %dma_start3A = arith.constant 0 : i32
      %dma_start3A_52 = tpu.memref_slice %arg3[%add3A_51, %dma_start3A] : memref<20480x128xf32, #tpu.memory_space<hbm>> -> memref<640x128xf32, #tpu.memory_space<hbm>>
      %dma_start3A_53 = arith.constant 0 : i32
      %dma_start3A_54 = tpu.memref_slice %arg6[%mul3A_46, %dma_start3A_53] : memref<10240x128xf32, #tpu.memory_space<vmem_shared>> -> memref<640x128xf32, #tpu.memory_space<vmem_shared>>
      tpu.enqueue_dma source(%dma_start3A_54 : memref<640x128xf32, #tpu.memory_space<vmem_shared>>) target(%dma_start3A_52 : memref<640x128xf32, #tpu.memory_space<hbm>>) target_semaphore(%run_scoped3A : memref<!tpu.dma_semaphore, #tpu.memory_space<semaphore_mem>>)
      %dma_wait3A = arith.constant 0 : i32
      %dma_wait3A_55 = tpu.memref_slice %arg3[%add3A_51, %dma_wait3A] : memref<20480x128xf32, #tpu.memory_space<hbm>> -> memref<640x128xf32, #tpu.memory_space<hbm>>
      %dma_wait3A_56 = arith.constant 0 : i32
      %dma_wait3A_57 = tpu.memref_slice %arg6[%mul3A_46, %dma_wait3A_56] : memref<10240x128xf32, #tpu.memory_space<vmem_shared>> -> memref<640x128xf32, #tpu.memory_space<vmem_shared>>
      tpu.wait_dma2 semaphore(%run_scoped3A : memref<!tpu.dma_semaphore, #tpu.memory_space<semaphore_mem>>) src(%dma_wait3A_57 : memref<640x128xf32, #tpu.memory_space<vmem_shared>>) dst(%dma_wait3A_55 : memref<640x128xf32, #tpu.memory_space<hbm>>)
      tpu.yield
    }) : () -> ()
    return
  }
}

#map = affine_map<(d0, d1) -> (0, 0)>
#map1 = affine_map<(d0, d1) -> (0, 0, 0)>
module attributes {stable_mosaic.version = 14 : i64} {
  func.func @_edge_body(%arg0: i32, %arg1: i32, %arg2: memref<10240x128xf32, #tpu.memory_space<hbm>>, %arg3: memref<32x79x128xi32, #tpu.memory_space<hbm>>, %arg4: memref<32x79x128xi32, #tpu.memory_space<hbm>>, %arg5: memref<20480x128xf32, #tpu.memory_space<hbm>>, %arg6: memref<79x128xi32, #tpu.memory_space<vmem>>, %arg7: memref<79x128xi32, #tpu.memory_space<vmem>>, %arg8: memref<128x128xf32, #tpu.memory_space<vmem>>, %arg9: memref<10240x128xf32, #tpu.memory_space<vmem_shared>>, %arg10: memref<!tpu.dma_semaphore, #tpu.memory_space<semaphore_mem>>) attributes {dimension_semantics = [#tpu.dimension_semantics<core_parallel>, #tpu.dimension_semantics<subcore_parallel>], iteration_bounds = array<i64: 2, 16>, scalar_prefetch = 0 : i64, scratch_operands = 5 : i64, tpu.core_type = #tpu.core_type<sc_vector_subcore>, window_params = [{transform_indices = #map}, {transform_indices = #map1}, {transform_indices = #map1}, {transform_indices = #map}]} {
    %mul3A = arith.constant 16 : i32
    %mul3A_0 = arith.muli %arg0, %mul3A : i32
    %add3A = arith.addi %mul3A_0, %arg1 : i32
    "tpu.region"() ({
      %run_scoped3A = tpu.sem_alloc : memref<!tpu.dma_semaphore, #tpu.memory_space<semaphore_mem>>
      %dma_start3A = arith.constant 0 : i32
      %dma_start3A_43 = arith.constant 0 : i32
      %dma_start3A_44 = tpu.memref_slice %arg3[%add3A, %dma_start3A, %dma_start3A_43] : memref<32x79x128xi32, #tpu.memory_space<hbm>> -> memref<1x79x128xi32, #tpu.memory_space<hbm>>
      %dma_start3A_45 = tpu.memref_squeeze %dma_start3A_44 : memref<1x79x128xi32, #tpu.memory_space<hbm>> -> memref<79x128xi32, #tpu.memory_space<hbm>>
      %dma_start3A_46 = arith.constant 0 : i32
      %dma_start3A_47 = arith.constant 0 : i32
      %dma_start3A_48 = tpu.memref_slice %arg3[%add3A, %dma_start3A_46, %dma_start3A_47] : memref<32x79x128xi32, #tpu.memory_space<hbm>> -> memref<1x79x128xi32, #tpu.memory_space<hbm>>
      %dma_start3A_49 = tpu.memref_squeeze %dma_start3A_48 : memref<1x79x128xi32, #tpu.memory_space<hbm>> -> memref<79x128xi32, #tpu.memory_space<hbm>>
      tpu.enqueue_dma source(%dma_start3A_49 : memref<79x128xi32, #tpu.memory_space<hbm>>) target(%arg6 : memref<79x128xi32, #tpu.memory_space<vmem>>) target_semaphore(%run_scoped3A : memref<!tpu.dma_semaphore, #tpu.memory_space<semaphore_mem>>)
      %dma_wait3A = arith.constant 0 : i32
      %dma_wait3A_50 = arith.constant 0 : i32
      %dma_wait3A_51 = tpu.memref_slice %arg3[%add3A, %dma_wait3A, %dma_wait3A_50] : memref<32x79x128xi32, #tpu.memory_space<hbm>> -> memref<1x79x128xi32, #tpu.memory_space<hbm>>
      %dma_wait3A_52 = tpu.memref_squeeze %dma_wait3A_51 : memref<1x79x128xi32, #tpu.memory_space<hbm>> -> memref<79x128xi32, #tpu.memory_space<hbm>>
      %dma_wait3A_53 = arith.constant 0 : i32
      %dma_wait3A_54 = arith.constant 0 : i32
      %dma_wait3A_55 = tpu.memref_slice %arg3[%add3A, %dma_wait3A_53, %dma_wait3A_54] : memref<32x79x128xi32, #tpu.memory_space<hbm>> -> memref<1x79x128xi32, #tpu.memory_space<hbm>>
      %dma_wait3A_56 = tpu.memref_squeeze %dma_wait3A_55 : memref<1x79x128xi32, #tpu.memory_space<hbm>> -> memref<79x128xi32, #tpu.memory_space<hbm>>
      tpu.wait_dma2 semaphore(%run_scoped3A : memref<!tpu.dma_semaphore, #tpu.memory_space<semaphore_mem>>) src(%dma_wait3A_56 : memref<79x128xi32, #tpu.memory_space<hbm>>) dst(%arg6 : memref<79x128xi32, #tpu.memory_space<vmem>>)
      tpu.yield
    }) : () -> ()
    "tpu.region"() ({
      %run_scoped3A = tpu.sem_alloc : memref<!tpu.dma_semaphore, #tpu.memory_space<semaphore_mem>>
      %dma_start3A = arith.constant 0 : i32
      %dma_start3A_43 = arith.constant 0 : i32
      %dma_start3A_44 = tpu.memref_slice %arg4[%add3A, %dma_start3A, %dma_start3A_43] : memref<32x79x128xi32, #tpu.memory_space<hbm>> -> memref<1x79x128xi32, #tpu.memory_space<hbm>>
      %dma_start3A_45 = tpu.memref_squeeze %dma_start3A_44 : memref<1x79x128xi32, #tpu.memory_space<hbm>> -> memref<79x128xi32, #tpu.memory_space<hbm>>
      %dma_start3A_46 = arith.constant 0 : i32
      %dma_start3A_47 = arith.constant 0 : i32
      %dma_start3A_48 = tpu.memref_slice %arg4[%add3A, %dma_start3A_46, %dma_start3A_47] : memref<32x79x128xi32, #tpu.memory_space<hbm>> -> memref<1x79x128xi32, #tpu.memory_space<hbm>>
      %dma_start3A_49 = tpu.memref_squeeze %dma_start3A_48 : memref<1x79x128xi32, #tpu.memory_space<hbm>> -> memref<79x128xi32, #tpu.memory_space<hbm>>
      tpu.enqueue_dma source(%dma_start3A_49 : memref<79x128xi32, #tpu.memory_space<hbm>>) target(%arg7 : memref<79x128xi32, #tpu.memory_space<vmem>>) target_semaphore(%run_scoped3A : memref<!tpu.dma_semaphore, #tpu.memory_space<semaphore_mem>>)
      %dma_wait3A = arith.constant 0 : i32
      %dma_wait3A_50 = arith.constant 0 : i32
      %dma_wait3A_51 = tpu.memref_slice %arg4[%add3A, %dma_wait3A, %dma_wait3A_50] : memref<32x79x128xi32, #tpu.memory_space<hbm>> -> memref<1x79x128xi32, #tpu.memory_space<hbm>>
      %dma_wait3A_52 = tpu.memref_squeeze %dma_wait3A_51 : memref<1x79x128xi32, #tpu.memory_space<hbm>> -> memref<79x128xi32, #tpu.memory_space<hbm>>
      %dma_wait3A_53 = arith.constant 0 : i32
      %dma_wait3A_54 = arith.constant 0 : i32
      %dma_wait3A_55 = tpu.memref_slice %arg4[%add3A, %dma_wait3A_53, %dma_wait3A_54] : memref<32x79x128xi32, #tpu.memory_space<hbm>> -> memref<1x79x128xi32, #tpu.memory_space<hbm>>
      %dma_wait3A_56 = tpu.memref_squeeze %dma_wait3A_55 : memref<1x79x128xi32, #tpu.memory_space<hbm>> -> memref<79x128xi32, #tpu.memory_space<hbm>>
      tpu.wait_dma2 semaphore(%run_scoped3A : memref<!tpu.dma_semaphore, #tpu.memory_space<semaphore_mem>>) src(%dma_wait3A_56 : memref<79x128xi32, #tpu.memory_space<hbm>>) dst(%arg7 : memref<79x128xi32, #tpu.memory_space<vmem>>)
      tpu.yield
    }) : () -> ()
    %broadcast_in_dim3A = arith.constant 0.000000e+00 : f32
    %broadcast_in_dim3A_1 = vector.broadcast %broadcast_in_dim3A : f32 to vector<16xf32>
    %scan3A = arith.constant 0 : i32
    %scan3A_2 = arith.constant 0 : i32
    %scan3A_3 = arith.constant 128 : i32
    %scan3A_4 = arith.addi %scan3A_2, %scan3A_3 : i32
    %scan3A_5 = arith.constant 1 : i32
    %scan3A_6 = scf.for %scan3A_43 = %scan3A_2 to %scan3A_4 step %scan3A_5 iter_args(%scan3A_44 = %scan3A) -> (i32)  : i32 {
      %swap3A = arith.index_cast %scan3A_43 : i32 to index
      %swap3A_45 = arith.constant 0 : index
      %swap3A_46 = tpu.vector_load %arg8[%swap3A, %swap3A_45] {strides = array<i32>} : memref<128x128xf32, #tpu.memory_space<vmem>>, vector<1x16xf32>,
      %swap3A_47 = vector.shape_cast %swap3A_46 : vector<1x16xf32> to vector<16xf32>
      %swap3A_48 = vector.shape_cast %broadcast_in_dim3A_1 : vector<16xf32> to vector<1x16xf32>
      tpu.vector_store %arg8[%swap3A, %swap3A_45], %swap3A_48 {strides = array<i32>} : memref<128x128xf32, #tpu.memory_space<vmem>>, vector<1x16xf32>,
      %swap3A_49 = arith.index_cast %scan3A_43 : i32 to index
      %swap3A_50 = arith.constant 16 : index
      %swap3A_51 = tpu.vector_load %arg8[%swap3A_49, %swap3A_50] {strides = array<i32>} : memref<128x128xf32, #tpu.memory_space<vmem>>, vector<1x16xf32>,
      %swap3A_52 = vector.shape_cast %swap3A_51 : vector<1x16xf32> to vector<16xf32>
      %swap3A_53 = vector.shape_cast %broadcast_in_dim3A_1 : vector<16xf32> to vector<1x16xf32>
      tpu.vector_store %arg8[%swap3A_49, %swap3A_50], %swap3A_53 {strides = array<i32>} : memref<128x128xf32, #tpu.memory_space<vmem>>, vector<1x16xf32>,
      %swap3A_54 = arith.index_cast %scan3A_43 : i32 to index
      %swap3A_55 = arith.constant 32 : index
      %swap3A_56 = tpu.vector_load %arg8[%swap3A_54, %swap3A_55] {strides = array<i32>} : memref<128x128xf32, #tpu.memory_space<vmem>>, vector<1x16xf32>,
      %swap3A_57 = vector.shape_cast %swap3A_56 : vector<1x16xf32> to vector<16xf32>
      %swap3A_58 = vector.shape_cast %broadcast_in_dim3A_1 : vector<16xf32> to vector<1x16xf32>
      tpu.vector_store %arg8[%swap3A_54, %swap3A_55], %swap3A_58 {strides = array<i32>} : memref<128x128xf32, #tpu.memory_space<vmem>>, vector<1x16xf32>,
      %swap3A_59 = arith.index_cast %scan3A_43 : i32 to index
      %swap3A_60 = arith.constant 48 : index
      %swap3A_61 = tpu.vector_load %arg8[%swap3A_59, %swap3A_60] {strides = array<i32>} : memref<128x128xf32, #tpu.memory_space<vmem>>, vector<1x16xf32>,
      %swap3A_62 = vector.shape_cast %swap3A_61 : vector<1x16xf32> to vector<16xf32>
      %swap3A_63 = vector.shape_cast %broadcast_in_dim3A_1 : vector<16xf32> to vector<1x16xf32>
      tpu.vector_store %arg8[%swap3A_59, %swap3A_60], %swap3A_63 {strides = array<i32>} : memref<128x128xf32, #tpu.memory_space<vmem>>, vector<1x16xf32>,
      %swap3A_64 = arith.index_cast %scan3A_43 : i32 to index
      %swap3A_65 = arith.constant 64 : index
      %swap3A_66 = tpu.vector_load %arg8[%swap3A_64, %swap3A_65] {strides = array<i32>} : memref<128x128xf32, #tpu.memory_space<vmem>>, vector<1x16xf32>,
      %swap3A_67 = vector.shape_cast %swap3A_66 : vector<1x16xf32> to vector<16xf32>
      %swap3A_68 = vector.shape_cast %broadcast_in_dim3A_1 : vector<16xf32> to vector<1x16xf32>
      tpu.vector_store %arg8[%swap3A_64, %swap3A_65], %swap3A_68 {strides = array<i32>} : memref<128x128xf32, #tpu.memory_space<vmem>>, vector<1x16xf32>,
      %swap3A_69 = arith.index_cast %scan3A_43 : i32 to index
      %swap3A_70 = arith.constant 80 : index
      %swap3A_71 = tpu.vector_load %arg8[%swap3A_69, %swap3A_70] {strides = array<i32>} : memref<128x128xf32, #tpu.memory_space<vmem>>, vector<1x16xf32>,
      %swap3A_72 = vector.shape_cast %swap3A_71 : vector<1x16xf32> to vector<16xf32>
      %swap3A_73 = vector.shape_cast %broadcast_in_dim3A_1 : vector<16xf32> to vector<1x16xf32>
      tpu.vector_store %arg8[%swap3A_69, %swap3A_70], %swap3A_73 {strides = array<i32>} : memref<128x128xf32, #tpu.memory_space<vmem>>, vector<1x16xf32>,
      %swap3A_74 = arith.index_cast %scan3A_43 : i32 to index
      %swap3A_75 = arith.constant 96 : index
      %swap3A_76 = tpu.vector_load %arg8[%swap3A_74, %swap3A_75] {strides = array<i32>} : memref<128x128xf32, #tpu.memory_space<vmem>>, vector<1x16xf32>,
      %swap3A_77 = vector.shape_cast %swap3A_76 : vector<1x16xf32> to vector<16xf32>
      %swap3A_78 = vector.shape_cast %broadcast_in_dim3A_1 : vector<16xf32> to vector<1x16xf32>
      tpu.vector_store %arg8[%swap3A_74, %swap3A_75], %swap3A_78 {strides = array<i32>} : memref<128x128xf32, #tpu.memory_space<vmem>>, vector<1x16xf32>,
      %swap3A_79 = arith.index_cast %scan3A_43 : i32 to index
      %swap3A_80 = arith.constant 112 : index
      %swap3A_81 = tpu.vector_load %arg8[%swap3A_79, %swap3A_80] {strides = array<i32>} : memref<128x128xf32, #tpu.memory_space<vmem>>, vector<1x16xf32>,
      %swap3A_82 = vector.shape_cast %swap3A_81 : vector<1x16xf32> to vector<16xf32>
      %swap3A_83 = vector.shape_cast %broadcast_in_dim3A_1 : vector<16xf32> to vector<1x16xf32>
      tpu.vector_store %arg8[%swap3A_79, %swap3A_80], %swap3A_83 {strides = array<i32>} : memref<128x128xf32, #tpu.memory_space<vmem>>, vector<1x16xf32>,
      %scan3A_84 = arith.constant 0 : i32
      scf.yield %scan3A_84 : i32
    }
    %scan3A_7 = arith.constant 128 : i32
    %mul3A_8 = arith.constant 640 : i32
    %mul3A_9 = arith.muli %arg1, %mul3A_8 : i32
    %add3A_10 = arith.constant 0 : i32
    %add3A_11 = arith.addi %mul3A_9, %add3A_10 : i32
    "tpu.region"() ({
      %run_scoped3A = tpu.sem_alloc : memref<!tpu.dma_semaphore, #tpu.memory_space<semaphore_mem>>
      %dma_start3A = arith.constant 0 : i32
      %dma_start3A_43 = tpu.memref_slice %arg9[%add3A_11, %dma_start3A] : memref<10240x128xf32, #tpu.memory_space<vmem_shared>> -> memref<128x128xf32, #tpu.memory_space<vmem_shared>>
      %dma_start3A_44 = arith.constant 0 : i32
      %dma_start3A_45 = tpu.memref_slice %arg9[%add3A_11, %dma_start3A_44] : memref<10240x128xf32, #tpu.memory_space<vmem_shared>> -> memref<128x128xf32, #tpu.memory_space<vmem_shared>>
      tpu.enqueue_dma source(%arg8 : memref<128x128xf32, #tpu.memory_space<vmem>>) target(%dma_start3A_45 : memref<128x128xf32, #tpu.memory_space<vmem_shared>>) target_semaphore(%run_scoped3A : memref<!tpu.dma_semaphore, #tpu.memory_space<semaphore_mem>>)
      %dma_wait3A = arith.constant 0 : i32
      %dma_wait3A_46 = tpu.memref_slice %arg9[%add3A_11, %dma_wait3A] : memref<10240x128xf32, #tpu.memory_space<vmem_shared>> -> memref<128x128xf32, #tpu.memory_space<vmem_shared>>
      %dma_wait3A_47 = arith.constant 0 : i32
      %dma_wait3A_48 = tpu.memref_slice %arg9[%add3A_11, %dma_wait3A_47] : memref<10240x128xf32, #tpu.memory_space<vmem_shared>> -> memref<128x128xf32, #tpu.memory_space<vmem_shared>>
      tpu.wait_dma2 semaphore(%run_scoped3A : memref<!tpu.dma_semaphore, #tpu.memory_space<semaphore_mem>>) src(%arg8 : memref<128x128xf32, #tpu.memory_space<vmem>>) dst(%dma_wait3A_48 : memref<128x128xf32, #tpu.memory_space<vmem_shared>>)
      tpu.yield
    }) : () -> ()
    %mul3A_12 = arith.constant 640 : i32
    %mul3A_13 = arith.muli %arg1, %mul3A_12 : i32
    %add3A_14 = arith.constant 128 : i32
    %add3A_15 = arith.addi %mul3A_13, %add3A_14 : i32
    "tpu.region"() ({
      %run_scoped3A = tpu.sem_alloc : memref<!tpu.dma_semaphore, #tpu.memory_space<semaphore_mem>>
      %dma_start3A = arith.constant 0 : i32
      %dma_start3A_43 = tpu.memref_slice %arg9[%add3A_15, %dma_start3A] : memref<10240x128xf32, #tpu.memory_space<vmem_shared>> -> memref<128x128xf32, #tpu.memory_space<vmem_shared>>
      %dma_start3A_44 = arith.constant 0 : i32
      %dma_start3A_45 = tpu.memref_slice %arg9[%add3A_15, %dma_start3A_44] : memref<10240x128xf32, #tpu.memory_space<vmem_shared>> -> memref<128x128xf32, #tpu.memory_space<vmem_shared>>
      tpu.enqueue_dma source(%arg8 : memref<128x128xf32, #tpu.memory_space<vmem>>) target(%dma_start3A_45 : memref<128x128xf32, #tpu.memory_space<vmem_shared>>) target_semaphore(%run_scoped3A : memref<!tpu.dma_semaphore, #tpu.memory_space<semaphore_mem>>)
      %dma_wait3A = arith.constant 0 : i32
      %dma_wait3A_46 = tpu.memref_slice %arg9[%add3A_15, %dma_wait3A] : memref<10240x128xf32, #tpu.memory_space<vmem_shared>> -> memref<128x128xf32, #tpu.memory_space<vmem_shared>>
      %dma_wait3A_47 = arith.constant 0 : i32
      %dma_wait3A_48 = tpu.memref_slice %arg9[%add3A_15, %dma_wait3A_47] : memref<10240x128xf32, #tpu.memory_space<vmem_shared>> -> memref<128x128xf32, #tpu.memory_space<vmem_shared>>
      tpu.wait_dma2 semaphore(%run_scoped3A : memref<!tpu.dma_semaphore, #tpu.memory_space<semaphore_mem>>) src(%arg8 : memref<128x128xf32, #tpu.memory_space<vmem>>) dst(%dma_wait3A_48 : memref<128x128xf32, #tpu.memory_space<vmem_shared>>)
      tpu.yield
    }) : () -> ()
    %mul3A_16 = arith.constant 640 : i32
    %mul3A_17 = arith.muli %arg1, %mul3A_16 : i32
    %add3A_18 = arith.constant 256 : i32
    %add3A_19 = arith.addi %mul3A_17, %add3A_18 : i32
    "tpu.region"() ({
      %run_scoped3A = tpu.sem_alloc : memref<!tpu.dma_semaphore, #tpu.memory_space<semaphore_mem>>
      %dma_start3A = arith.constant 0 : i32
      %dma_start3A_43 = tpu.memref_slice %arg9[%add3A_19, %dma_start3A] : memref<10240x128xf32, #tpu.memory_space<vmem_shared>> -> memref<128x128xf32, #tpu.memory_space<vmem_shared>>
      %dma_start3A_44 = arith.constant 0 : i32
      %dma_start3A_45 = tpu.memref_slice %arg9[%add3A_19, %dma_start3A_44] : memref<10240x128xf32, #tpu.memory_space<vmem_shared>> -> memref<128x128xf32, #tpu.memory_space<vmem_shared>>
      tpu.enqueue_dma source(%arg8 : memref<128x128xf32, #tpu.memory_space<vmem>>) target(%dma_start3A_45 : memref<128x128xf32, #tpu.memory_space<vmem_shared>>) target_semaphore(%run_scoped3A : memref<!tpu.dma_semaphore, #tpu.memory_space<semaphore_mem>>)
      %dma_wait3A = arith.constant 0 : i32
      %dma_wait3A_46 = tpu.memref_slice %arg9[%add3A_19, %dma_wait3A] : memref<10240x128xf32, #tpu.memory_space<vmem_shared>> -> memref<128x128xf32, #tpu.memory_space<vmem_shared>>
      %dma_wait3A_47 = arith.constant 0 : i32
      %dma_wait3A_48 = tpu.memref_slice %arg9[%add3A_19, %dma_wait3A_47] : memref<10240x128xf32, #tpu.memory_space<vmem_shared>> -> memref<128x128xf32, #tpu.memory_space<vmem_shared>>
      tpu.wait_dma2 semaphore(%run_scoped3A : memref<!tpu.dma_semaphore, #tpu.memory_space<semaphore_mem>>) src(%arg8 : memref<128x128xf32, #tpu.memory_space<vmem>>) dst(%dma_wait3A_48 : memref<128x128xf32, #tpu.memory_space<vmem_shared>>)
      tpu.yield
    }) : () -> ()
    %mul3A_20 = arith.constant 640 : i32
    %mul3A_21 = arith.muli %arg1, %mul3A_20 : i32
    %add3A_22 = arith.constant 384 : i32
    %add3A_23 = arith.addi %mul3A_21, %add3A_22 : i32
    "tpu.region"() ({
      %run_scoped3A = tpu.sem_alloc : memref<!tpu.dma_semaphore, #tpu.memory_space<semaphore_mem>>
      %dma_start3A = arith.constant 0 : i32
      %dma_start3A_43 = tpu.memref_slice %arg9[%add3A_23, %dma_start3A] : memref<10240x128xf32, #tpu.memory_space<vmem_shared>> -> memref<128x128xf32, #tpu.memory_space<vmem_shared>>
      %dma_start3A_44 = arith.constant 0 : i32
      %dma_start3A_45 = tpu.memref_slice %arg9[%add3A_23, %dma_start3A_44] : memref<10240x128xf32, #tpu.memory_space<vmem_shared>> -> memref<128x128xf32, #tpu.memory_space<vmem_shared>>
      tpu.enqueue_dma source(%arg8 : memref<128x128xf32, #tpu.memory_space<vmem>>) target(%dma_start3A_45 : memref<128x128xf32, #tpu.memory_space<vmem_shared>>) target_semaphore(%run_scoped3A : memref<!tpu.dma_semaphore, #tpu.memory_space<semaphore_mem>>)
      %dma_wait3A = arith.constant 0 : i32
      %dma_wait3A_46 = tpu.memref_slice %arg9[%add3A_23, %dma_wait3A] : memref<10240x128xf32, #tpu.memory_space<vmem_shared>> -> memref<128x128xf32, #tpu.memory_space<vmem_shared>>
      %dma_wait3A_47 = arith.constant 0 : i32
      %dma_wait3A_48 = tpu.memref_slice %arg9[%add3A_23, %dma_wait3A_47] : memref<10240x128xf32, #tpu.memory_space<vmem_shared>> -> memref<128x128xf32, #tpu.memory_space<vmem_shared>>
      tpu.wait_dma2 semaphore(%run_scoped3A : memref<!tpu.dma_semaphore, #tpu.memory_space<semaphore_mem>>) src(%arg8 : memref<128x128xf32, #tpu.memory_space<vmem>>) dst(%dma_wait3A_48 : memref<128x128xf32, #tpu.memory_space<vmem_shared>>)
      tpu.yield
    }) : () -> ()
    %mul3A_24 = arith.constant 640 : i32
    %mul3A_25 = arith.muli %arg1, %mul3A_24 : i32
    %add3A_26 = arith.constant 512 : i32
    %add3A_27 = arith.addi %mul3A_25, %add3A_26 : i32
    "tpu.region"() ({
      %run_scoped3A = tpu.sem_alloc : memref<!tpu.dma_semaphore, #tpu.memory_space<semaphore_mem>>
      %dma_start3A = arith.constant 0 : i32
      %dma_start3A_43 = tpu.memref_slice %arg9[%add3A_27, %dma_start3A] : memref<10240x128xf32, #tpu.memory_space<vmem_shared>> -> memref<128x128xf32, #tpu.memory_space<vmem_shared>>
      %dma_start3A_44 = arith.constant 0 : i32
      %dma_start3A_45 = tpu.memref_slice %arg9[%add3A_27, %dma_start3A_44] : memref<10240x128xf32, #tpu.memory_space<vmem_shared>> -> memref<128x128xf32, #tpu.memory_space<vmem_shared>>
      tpu.enqueue_dma source(%arg8 : memref<128x128xf32, #tpu.memory_space<vmem>>) target(%dma_start3A_45 : memref<128x128xf32, #tpu.memory_space<vmem_shared>>) target_semaphore(%run_scoped3A : memref<!tpu.dma_semaphore, #tpu.memory_space<semaphore_mem>>)
      %dma_wait3A = arith.constant 0 : i32
      %dma_wait3A_46 = tpu.memref_slice %arg9[%add3A_27, %dma_wait3A] : memref<10240x128xf32, #tpu.memory_space<vmem_shared>> -> memref<128x128xf32, #tpu.memory_space<vmem_shared>>
      %dma_wait3A_47 = arith.constant 0 : i32
      %dma_wait3A_48 = tpu.memref_slice %arg9[%add3A_27, %dma_wait3A_47] : memref<10240x128xf32, #tpu.memory_space<vmem_shared>> -> memref<128x128xf32, #tpu.memory_space<vmem_shared>>
      tpu.wait_dma2 semaphore(%run_scoped3A : memref<!tpu.dma_semaphore, #tpu.memory_space<semaphore_mem>>) src(%arg8 : memref<128x128xf32, #tpu.memory_space<vmem>>) dst(%dma_wait3A_48 : memref<128x128xf32, #tpu.memory_space<vmem_shared>>)
      tpu.yield
    }) : () -> ()
    %barrier3A = arith.constant 0 : index
    tpu.barrier barrier_id(%barrier3A)
    %scan3A_28 = arith.constant 0 : i32
    %scan3A_29 = arith.constant 0 : i32
    %scan3A_30 = arith.constant 79 : i32
    %scan3A_31 = arith.addi %scan3A_29, %scan3A_30 : i32
    %scan3A_32 = arith.constant 1 : i32
    %scan3A_33 = scf.for %scan3A_43 = %scan3A_29 to %scan3A_31 step %scan3A_32 iter_args(%scan3A_44 = %scan3A_28) -> (i32)  : i32 {
      %dma_start3A = arith.constant 0 : i32
      %dma_start3A_45 = tpu.memref_slice %arg6[%scan3A_43, %dma_start3A] : memref<79x128xi32, #tpu.memory_space<vmem>> -> memref<1x128xi32, #tpu.memory_space<vmem>>
      %dma_start3A_46 = tpu.memref_squeeze %dma_start3A_45 : memref<1x128xi32, #tpu.memory_space<vmem>> -> memref<128xi32, #tpu.memory_space<vmem>>
      %dma_start3A_47 = arith.constant 0 : i32
      %dma_start3A_48 = arith.constant 0 : i32
      %dma_start3A_49 = tpu.memref_slice %arg2[%dma_start3A_47, %dma_start3A_48] : memref<10240x128xf32, #tpu.memory_space<hbm>> -> memref<10240x128xf32, #tpu.memory_space<hbm>>
      tpu.enqueue_indirect_dma source(%dma_start3A_49 : memref<10240x128xf32, #tpu.memory_space<hbm>>) target(%arg8 : memref<128x128xf32, #tpu.memory_space<vmem>>) offsets(%dma_start3A_46 : memref<128xi32, #tpu.memory_space<vmem>>) semaphore(%arg10 : memref<!tpu.dma_semaphore, #tpu.memory_space<semaphore_mem>>)
      %dma_wait3A = arith.constant 0 : i32
      %dma_wait3A_50 = tpu.memref_slice %arg6[%scan3A_43, %dma_wait3A] : memref<79x128xi32, #tpu.memory_space<vmem>> -> memref<1x128xi32, #tpu.memory_space<vmem>>
      %dma_wait3A_51 = tpu.memref_squeeze %dma_wait3A_50 : memref<1x128xi32, #tpu.memory_space<vmem>> -> memref<128xi32, #tpu.memory_space<vmem>>
      %dma_wait3A_52 = arith.constant 0 : i32
      %dma_wait3A_53 = arith.constant 0 : i32
      %dma_wait3A_54 = tpu.memref_slice %arg2[%dma_wait3A_52, %dma_wait3A_53] : memref<10240x128xf32, #tpu.memory_space<hbm>> -> memref<10240x128xf32, #tpu.memory_space<hbm>>
      tpu.wait_indirect_dma semaphore(%arg10 : memref<!tpu.dma_semaphore, #tpu.memory_space<semaphore_mem>>) src(%dma_wait3A_54 : memref<10240x128xf32, #tpu.memory_space<hbm>>) dst(%arg8 : memref<128x128xf32, #tpu.memory_space<vmem>>)
      "tpu.region"() ({
        %run_scoped3A = tpu.sem_alloc : memref<!tpu.dma_semaphore, #tpu.memory_space<semaphore_mem>>
        %dma_start3A_56 = arith.constant 0 : i32
        %dma_start3A_57 = tpu.memref_slice %arg7[%scan3A_43, %dma_start3A_56] : memref<79x128xi32, #tpu.memory_space<vmem>> -> memref<1x128xi32, #tpu.memory_space<vmem>>
        %dma_start3A_58 = tpu.memref_squeeze %dma_start3A_57 : memref<1x128xi32, #tpu.memory_space<vmem>> -> memref<128xi32, #tpu.memory_space<vmem>>
        %dma_start3A_59 = arith.constant 0 : i32
        %dma_start3A_60 = arith.constant 0 : i32
        %dma_start3A_61 = tpu.memref_slice %arg9[%dma_start3A_59, %dma_start3A_60] : memref<10240x128xf32, #tpu.memory_space<vmem_shared>> -> memref<10240x128xf32, #tpu.memory_space<vmem_shared>>
        tpu.enqueue_indirect_dma source(%arg8 : memref<128x128xf32, #tpu.memory_space<vmem>>) target(%dma_start3A_61 : memref<10240x128xf32, #tpu.memory_space<vmem_shared>>) offsets(%dma_start3A_58 : memref<128xi32, #tpu.memory_space<vmem>>) semaphore(%run_scoped3A : memref<!tpu.dma_semaphore, #tpu.memory_space<semaphore_mem>>) {add = true}
        %dma_wait3A_62 = arith.constant 0 : i32
        %dma_wait3A_63 = tpu.memref_slice %arg7[%scan3A_43, %dma_wait3A_62] : memref<79x128xi32, #tpu.memory_space<vmem>> -> memref<1x128xi32, #tpu.memory_space<vmem>>
        %dma_wait3A_64 = tpu.memref_squeeze %dma_wait3A_63 : memref<1x128xi32, #tpu.memory_space<vmem>> -> memref<128xi32, #tpu.memory_space<vmem>>
        %dma_wait3A_65 = arith.constant 0 : i32
        %dma_wait3A_66 = arith.constant 0 : i32
        %dma_wait3A_67 = tpu.memref_slice %arg9[%dma_wait3A_65, %dma_wait3A_66] : memref<10240x128xf32, #tpu.memory_space<vmem_shared>> -> memref<10240x128xf32, #tpu.memory_space<vmem_shared>>
        tpu.wait_indirect_dma semaphore(%run_scoped3A : memref<!tpu.dma_semaphore, #tpu.memory_space<semaphore_mem>>) src(%arg8 : memref<128x128xf32, #tpu.memory_space<vmem>>) dst(%dma_wait3A_67 : memref<10240x128xf32, #tpu.memory_space<vmem_shared>>)
        tpu.yield
      }) : () -> ()
      %scan3A_55 = arith.constant 0 : i32
      scf.yield %scan3A_55 : i32
    }
    %scan3A_34 = arith.constant 79 : i32
    %barrier3A_35 = arith.constant 0 : index
    tpu.barrier barrier_id(%barrier3A_35)
    %mul3A_36 = arith.constant 640 : i32
    %mul3A_37 = arith.muli %arg1, %mul3A_36 : i32
    %mul3A_38 = arith.constant 10240 : i32
    %mul3A_39 = arith.muli %arg0, %mul3A_38 : i32
    %mul3A_40 = arith.constant 640 : i32
    %mul3A_41 = arith.muli %arg1, %mul3A_40 : i32
    %add3A_42 = arith.addi %mul3A_39, %mul3A_41 : i32
    "tpu.region"() ({
      %run_scoped3A = tpu.sem_alloc : memref<!tpu.dma_semaphore, #tpu.memory_space<semaphore_mem>>
      %dma_start3A = arith.constant 0 : i32
      %dma_start3A_43 = tpu.memref_slice %arg5[%add3A_42, %dma_start3A] : memref<20480x128xf32, #tpu.memory_space<hbm>> -> memref<640x128xf32, #tpu.memory_space<hbm>>
      %dma_start3A_44 = arith.constant 0 : i32
      %dma_start3A_45 = tpu.memref_slice %arg9[%mul3A_37, %dma_start3A_44] : memref<10240x128xf32, #tpu.memory_space<vmem_shared>> -> memref<640x128xf32, #tpu.memory_space<vmem_shared>>
      tpu.enqueue_dma source(%dma_start3A_45 : memref<640x128xf32, #tpu.memory_space<vmem_shared>>) target(%dma_start3A_43 : memref<640x128xf32, #tpu.memory_space<hbm>>) target_semaphore(%run_scoped3A : memref<!tpu.dma_semaphore, #tpu.memory_space<semaphore_mem>>)
      %dma_wait3A = arith.constant 0 : i32
      %dma_wait3A_46 = tpu.memref_slice %arg5[%add3A_42, %dma_wait3A] : memref<20480x128xf32, #tpu.memory_space<hbm>> -> memref<640x128xf32, #tpu.memory_space<hbm>>
      %dma_wait3A_47 = arith.constant 0 : i32
      %dma_wait3A_48 = tpu.memref_slice %arg9[%mul3A_37, %dma_wait3A_47] : memref<10240x128xf32, #tpu.memory_space<vmem_shared>> -> memref<640x128xf32, #tpu.memory_space<vmem_shared>>
      tpu.wait_dma2 semaphore(%run_scoped3A : memref<!tpu.dma_semaphore, #tpu.memory_space<semaphore_mem>>) src(%dma_wait3A_48 : memref<640x128xf32, #tpu.memory_space<vmem_shared>>) dst(%dma_wait3A_46 : memref<640x128xf32, #tpu.memory_space<hbm>>)
      tpu.yield
    }) : () -> ()
    return
  }
}

#map = affine_map<(d0, d1) -> (0, 0)>
#map1 = affine_map<(d0, d1) -> (0, 0, 0)>
module attributes {stable_mosaic.version = 14 : i64} {
  func.func @_edge_body(%arg0: i32, %arg1: i32, %arg2: memref<10240x128xf32, #tpu.memory_space<hbm>>, %arg3: memref<32x79x128xi32, #tpu.memory_space<hbm>>, %arg4: memref<32x79x128xi32, #tpu.memory_space<hbm>>, %arg5: memref<20480x128xf32, #tpu.memory_space<hbm>>, %arg6: memref<79x128xi32, #tpu.memory_space<vmem>>, %arg7: memref<79x128xi32, #tpu.memory_space<vmem>>, %arg8: memref<128x128xf32, #tpu.memory_space<vmem>>, %arg9: memref<10240x128xf32, #tpu.memory_space<vmem_shared>>, %arg10: memref<!tpu.dma_semaphore, #tpu.memory_space<semaphore_mem>>) attributes {dimension_semantics = [#tpu.dimension_semantics<core_parallel>, #tpu.dimension_semantics<subcore_parallel>], iteration_bounds = array<i64: 2, 16>, scalar_prefetch = 0 : i64, scratch_operands = 5 : i64, tpu.core_type = #tpu.core_type<sc_vector_subcore>, window_params = [{transform_indices = #map}, {transform_indices = #map1}, {transform_indices = #map1}, {transform_indices = #map}]} {
    %mul3A = arith.constant 16 : i32
    %mul3A_0 = arith.muli %arg0, %mul3A : i32
    %add3A = arith.addi %mul3A_0, %arg1 : i32
    "tpu.region"() ({
      %run_scoped3A = tpu.sem_alloc : memref<!tpu.dma_semaphore, #tpu.memory_space<semaphore_mem>>
      %dma_start3A = arith.constant 0 : i32
      %dma_start3A_43 = arith.constant 0 : i32
      %dma_start3A_44 = tpu.memref_slice %arg3[%add3A, %dma_start3A, %dma_start3A_43] : memref<32x79x128xi32, #tpu.memory_space<hbm>> -> memref<1x79x128xi32, #tpu.memory_space<hbm>>
      %dma_start3A_45 = tpu.memref_squeeze %dma_start3A_44 : memref<1x79x128xi32, #tpu.memory_space<hbm>> -> memref<79x128xi32, #tpu.memory_space<hbm>>
      %dma_start3A_46 = arith.constant 0 : i32
      %dma_start3A_47 = arith.constant 0 : i32
      %dma_start3A_48 = tpu.memref_slice %arg3[%add3A, %dma_start3A_46, %dma_start3A_47] : memref<32x79x128xi32, #tpu.memory_space<hbm>> -> memref<1x79x128xi32, #tpu.memory_space<hbm>>
      %dma_start3A_49 = tpu.memref_squeeze %dma_start3A_48 : memref<1x79x128xi32, #tpu.memory_space<hbm>> -> memref<79x128xi32, #tpu.memory_space<hbm>>
      tpu.enqueue_dma source(%dma_start3A_49 : memref<79x128xi32, #tpu.memory_space<hbm>>) target(%arg6 : memref<79x128xi32, #tpu.memory_space<vmem>>) target_semaphore(%run_scoped3A : memref<!tpu.dma_semaphore, #tpu.memory_space<semaphore_mem>>)
      %dma_wait3A = arith.constant 0 : i32
      %dma_wait3A_50 = arith.constant 0 : i32
      %dma_wait3A_51 = tpu.memref_slice %arg3[%add3A, %dma_wait3A, %dma_wait3A_50] : memref<32x79x128xi32, #tpu.memory_space<hbm>> -> memref<1x79x128xi32, #tpu.memory_space<hbm>>
      %dma_wait3A_52 = tpu.memref_squeeze %dma_wait3A_51 : memref<1x79x128xi32, #tpu.memory_space<hbm>> -> memref<79x128xi32, #tpu.memory_space<hbm>>
      %dma_wait3A_53 = arith.constant 0 : i32
      %dma_wait3A_54 = arith.constant 0 : i32
      %dma_wait3A_55 = tpu.memref_slice %arg3[%add3A, %dma_wait3A_53, %dma_wait3A_54] : memref<32x79x128xi32, #tpu.memory_space<hbm>> -> memref<1x79x128xi32, #tpu.memory_space<hbm>>
      %dma_wait3A_56 = tpu.memref_squeeze %dma_wait3A_55 : memref<1x79x128xi32, #tpu.memory_space<hbm>> -> memref<79x128xi32, #tpu.memory_space<hbm>>
      tpu.wait_dma2 semaphore(%run_scoped3A : memref<!tpu.dma_semaphore, #tpu.memory_space<semaphore_mem>>) src(%dma_wait3A_56 : memref<79x128xi32, #tpu.memory_space<hbm>>) dst(%arg6 : memref<79x128xi32, #tpu.memory_space<vmem>>)
      tpu.yield
    }) : () -> ()
    "tpu.region"() ({
      %run_scoped3A = tpu.sem_alloc : memref<!tpu.dma_semaphore, #tpu.memory_space<semaphore_mem>>
      %dma_start3A = arith.constant 0 : i32
      %dma_start3A_43 = arith.constant 0 : i32
      %dma_start3A_44 = tpu.memref_slice %arg4[%add3A, %dma_start3A, %dma_start3A_43] : memref<32x79x128xi32, #tpu.memory_space<hbm>> -> memref<1x79x128xi32, #tpu.memory_space<hbm>>
      %dma_start3A_45 = tpu.memref_squeeze %dma_start3A_44 : memref<1x79x128xi32, #tpu.memory_space<hbm>> -> memref<79x128xi32, #tpu.memory_space<hbm>>
      %dma_start3A_46 = arith.constant 0 : i32
      %dma_start3A_47 = arith.constant 0 : i32
      %dma_start3A_48 = tpu.memref_slice %arg4[%add3A, %dma_start3A_46, %dma_start3A_47] : memref<32x79x128xi32, #tpu.memory_space<hbm>> -> memref<1x79x128xi32, #tpu.memory_space<hbm>>
      %dma_start3A_49 = tpu.memref_squeeze %dma_start3A_48 : memref<1x79x128xi32, #tpu.memory_space<hbm>> -> memref<79x128xi32, #tpu.memory_space<hbm>>
      tpu.enqueue_dma source(%dma_start3A_49 : memref<79x128xi32, #tpu.memory_space<hbm>>) target(%arg7 : memref<79x128xi32, #tpu.memory_space<vmem>>) target_semaphore(%run_scoped3A : memref<!tpu.dma_semaphore, #tpu.memory_space<semaphore_mem>>)
      %dma_wait3A = arith.constant 0 : i32
      %dma_wait3A_50 = arith.constant 0 : i32
      %dma_wait3A_51 = tpu.memref_slice %arg4[%add3A, %dma_wait3A, %dma_wait3A_50] : memref<32x79x128xi32, #tpu.memory_space<hbm>> -> memref<1x79x128xi32, #tpu.memory_space<hbm>>
      %dma_wait3A_52 = tpu.memref_squeeze %dma_wait3A_51 : memref<1x79x128xi32, #tpu.memory_space<hbm>> -> memref<79x128xi32, #tpu.memory_space<hbm>>
      %dma_wait3A_53 = arith.constant 0 : i32
      %dma_wait3A_54 = arith.constant 0 : i32
      %dma_wait3A_55 = tpu.memref_slice %arg4[%add3A, %dma_wait3A_53, %dma_wait3A_54] : memref<32x79x128xi32, #tpu.memory_space<hbm>> -> memref<1x79x128xi32, #tpu.memory_space<hbm>>
      %dma_wait3A_56 = tpu.memref_squeeze %dma_wait3A_55 : memref<1x79x128xi32, #tpu.memory_space<hbm>> -> memref<79x128xi32, #tpu.memory_space<hbm>>
      tpu.wait_dma2 semaphore(%run_scoped3A : memref<!tpu.dma_semaphore, #tpu.memory_space<semaphore_mem>>) src(%dma_wait3A_56 : memref<79x128xi32, #tpu.memory_space<hbm>>) dst(%arg7 : memref<79x128xi32, #tpu.memory_space<vmem>>)
      tpu.yield
    }) : () -> ()
    %broadcast_in_dim3A = arith.constant 0.000000e+00 : f32
    %broadcast_in_dim3A_1 = vector.broadcast %broadcast_in_dim3A : f32 to vector<16xf32>
    %scan3A = arith.constant 0 : i32
    %scan3A_2 = arith.constant 0 : i32
    %scan3A_3 = arith.constant 128 : i32
    %scan3A_4 = arith.addi %scan3A_2, %scan3A_3 : i32
    %scan3A_5 = arith.constant 1 : i32
    %scan3A_6 = scf.for %scan3A_43 = %scan3A_2 to %scan3A_4 step %scan3A_5 iter_args(%scan3A_44 = %scan3A) -> (i32)  : i32 {
      %swap3A = arith.index_cast %scan3A_43 : i32 to index
      %swap3A_45 = arith.constant 0 : index
      %swap3A_46 = tpu.vector_load %arg8[%swap3A, %swap3A_45] {strides = array<i32>} : memref<128x128xf32, #tpu.memory_space<vmem>>, vector<1x16xf32>,
      %swap3A_47 = vector.shape_cast %swap3A_46 : vector<1x16xf32> to vector<16xf32>
      %swap3A_48 = vector.shape_cast %broadcast_in_dim3A_1 : vector<16xf32> to vector<1x16xf32>
      tpu.vector_store %arg8[%swap3A, %swap3A_45], %swap3A_48 {strides = array<i32>} : memref<128x128xf32, #tpu.memory_space<vmem>>, vector<1x16xf32>,
      %swap3A_49 = arith.index_cast %scan3A_43 : i32 to index
      %swap3A_50 = arith.constant 16 : index
      %swap3A_51 = tpu.vector_load %arg8[%swap3A_49, %swap3A_50] {strides = array<i32>} : memref<128x128xf32, #tpu.memory_space<vmem>>, vector<1x16xf32>,
      %swap3A_52 = vector.shape_cast %swap3A_51 : vector<1x16xf32> to vector<16xf32>
      %swap3A_53 = vector.shape_cast %broadcast_in_dim3A_1 : vector<16xf32> to vector<1x16xf32>
      tpu.vector_store %arg8[%swap3A_49, %swap3A_50], %swap3A_53 {strides = array<i32>} : memref<128x128xf32, #tpu.memory_space<vmem>>, vector<1x16xf32>,
      %swap3A_54 = arith.index_cast %scan3A_43 : i32 to index
      %swap3A_55 = arith.constant 32 : index
      %swap3A_56 = tpu.vector_load %arg8[%swap3A_54, %swap3A_55] {strides = array<i32>} : memref<128x128xf32, #tpu.memory_space<vmem>>, vector<1x16xf32>,
      %swap3A_57 = vector.shape_cast %swap3A_56 : vector<1x16xf32> to vector<16xf32>
      %swap3A_58 = vector.shape_cast %broadcast_in_dim3A_1 : vector<16xf32> to vector<1x16xf32>
      tpu.vector_store %arg8[%swap3A_54, %swap3A_55], %swap3A_58 {strides = array<i32>} : memref<128x128xf32, #tpu.memory_space<vmem>>, vector<1x16xf32>,
      %swap3A_59 = arith.index_cast %scan3A_43 : i32 to index
      %swap3A_60 = arith.constant 48 : index
      %swap3A_61 = tpu.vector_load %arg8[%swap3A_59, %swap3A_60] {strides = array<i32>} : memref<128x128xf32, #tpu.memory_space<vmem>>, vector<1x16xf32>,
      %swap3A_62 = vector.shape_cast %swap3A_61 : vector<1x16xf32> to vector<16xf32>
      %swap3A_63 = vector.shape_cast %broadcast_in_dim3A_1 : vector<16xf32> to vector<1x16xf32>
      tpu.vector_store %arg8[%swap3A_59, %swap3A_60], %swap3A_63 {strides = array<i32>} : memref<128x128xf32, #tpu.memory_space<vmem>>, vector<1x16xf32>,
      %swap3A_64 = arith.index_cast %scan3A_43 : i32 to index
      %swap3A_65 = arith.constant 64 : index
      %swap3A_66 = tpu.vector_load %arg8[%swap3A_64, %swap3A_65] {strides = array<i32>} : memref<128x128xf32, #tpu.memory_space<vmem>>, vector<1x16xf32>,
      %swap3A_67 = vector.shape_cast %swap3A_66 : vector<1x16xf32> to vector<16xf32>
      %swap3A_68 = vector.shape_cast %broadcast_in_dim3A_1 : vector<16xf32> to vector<1x16xf32>
      tpu.vector_store %arg8[%swap3A_64, %swap3A_65], %swap3A_68 {strides = array<i32>} : memref<128x128xf32, #tpu.memory_space<vmem>>, vector<1x16xf32>,
      %swap3A_69 = arith.index_cast %scan3A_43 : i32 to index
      %swap3A_70 = arith.constant 80 : index
      %swap3A_71 = tpu.vector_load %arg8[%swap3A_69, %swap3A_70] {strides = array<i32>} : memref<128x128xf32, #tpu.memory_space<vmem>>, vector<1x16xf32>,
      %swap3A_72 = vector.shape_cast %swap3A_71 : vector<1x16xf32> to vector<16xf32>
      %swap3A_73 = vector.shape_cast %broadcast_in_dim3A_1 : vector<16xf32> to vector<1x16xf32>
      tpu.vector_store %arg8[%swap3A_69, %swap3A_70], %swap3A_73 {strides = array<i32>} : memref<128x128xf32, #tpu.memory_space<vmem>>, vector<1x16xf32>,
      %swap3A_74 = arith.index_cast %scan3A_43 : i32 to index
      %swap3A_75 = arith.constant 96 : index
      %swap3A_76 = tpu.vector_load %arg8[%swap3A_74, %swap3A_75] {strides = array<i32>} : memref<128x128xf32, #tpu.memory_space<vmem>>, vector<1x16xf32>,
      %swap3A_77 = vector.shape_cast %swap3A_76 : vector<1x16xf32> to vector<16xf32>
      %swap3A_78 = vector.shape_cast %broadcast_in_dim3A_1 : vector<16xf32> to vector<1x16xf32>
      tpu.vector_store %arg8[%swap3A_74, %swap3A_75], %swap3A_78 {strides = array<i32>} : memref<128x128xf32, #tpu.memory_space<vmem>>, vector<1x16xf32>,
      %swap3A_79 = arith.index_cast %scan3A_43 : i32 to index
      %swap3A_80 = arith.constant 112 : index
      %swap3A_81 = tpu.vector_load %arg8[%swap3A_79, %swap3A_80] {strides = array<i32>} : memref<128x128xf32, #tpu.memory_space<vmem>>, vector<1x16xf32>,
      %swap3A_82 = vector.shape_cast %swap3A_81 : vector<1x16xf32> to vector<16xf32>
      %swap3A_83 = vector.shape_cast %broadcast_in_dim3A_1 : vector<16xf32> to vector<1x16xf32>
      tpu.vector_store %arg8[%swap3A_79, %swap3A_80], %swap3A_83 {strides = array<i32>} : memref<128x128xf32, #tpu.memory_space<vmem>>, vector<1x16xf32>,
      %scan3A_84 = arith.constant 0 : i32
      scf.yield %scan3A_84 : i32
    }
    %scan3A_7 = arith.constant 128 : i32
    %mul3A_8 = arith.constant 640 : i32
    %mul3A_9 = arith.muli %arg1, %mul3A_8 : i32
    %add3A_10 = arith.constant 0 : i32
    %add3A_11 = arith.addi %mul3A_9, %add3A_10 : i32
    "tpu.region"() ({
      %run_scoped3A = tpu.sem_alloc : memref<!tpu.dma_semaphore, #tpu.memory_space<semaphore_mem>>
      %dma_start3A = arith.constant 0 : i32
      %dma_start3A_43 = tpu.memref_slice %arg9[%add3A_11, %dma_start3A] : memref<10240x128xf32, #tpu.memory_space<vmem_shared>> -> memref<128x128xf32, #tpu.memory_space<vmem_shared>>
      %dma_start3A_44 = arith.constant 0 : i32
      %dma_start3A_45 = tpu.memref_slice %arg9[%add3A_11, %dma_start3A_44] : memref<10240x128xf32, #tpu.memory_space<vmem_shared>> -> memref<128x128xf32, #tpu.memory_space<vmem_shared>>
      tpu.enqueue_dma source(%arg8 : memref<128x128xf32, #tpu.memory_space<vmem>>) target(%dma_start3A_45 : memref<128x128xf32, #tpu.memory_space<vmem_shared>>) target_semaphore(%run_scoped3A : memref<!tpu.dma_semaphore, #tpu.memory_space<semaphore_mem>>)
      %dma_wait3A = arith.constant 0 : i32
      %dma_wait3A_46 = tpu.memref_slice %arg9[%add3A_11, %dma_wait3A] : memref<10240x128xf32, #tpu.memory_space<vmem_shared>> -> memref<128x128xf32, #tpu.memory_space<vmem_shared>>
      %dma_wait3A_47 = arith.constant 0 : i32
      %dma_wait3A_48 = tpu.memref_slice %arg9[%add3A_11, %dma_wait3A_47] : memref<10240x128xf32, #tpu.memory_space<vmem_shared>> -> memref<128x128xf32, #tpu.memory_space<vmem_shared>>
      tpu.wait_dma2 semaphore(%run_scoped3A : memref<!tpu.dma_semaphore, #tpu.memory_space<semaphore_mem>>) src(%arg8 : memref<128x128xf32, #tpu.memory_space<vmem>>) dst(%dma_wait3A_48 : memref<128x128xf32, #tpu.memory_space<vmem_shared>>)
      tpu.yield
    }) : () -> ()
    %mul3A_12 = arith.constant 640 : i32
    %mul3A_13 = arith.muli %arg1, %mul3A_12 : i32
    %add3A_14 = arith.constant 128 : i32
    %add3A_15 = arith.addi %mul3A_13, %add3A_14 : i32
    "tpu.region"() ({
      %run_scoped3A = tpu.sem_alloc : memref<!tpu.dma_semaphore, #tpu.memory_space<semaphore_mem>>
      %dma_start3A = arith.constant 0 : i32
      %dma_start3A_43 = tpu.memref_slice %arg9[%add3A_15, %dma_start3A] : memref<10240x128xf32, #tpu.memory_space<vmem_shared>> -> memref<128x128xf32, #tpu.memory_space<vmem_shared>>
      %dma_start3A_44 = arith.constant 0 : i32
      %dma_start3A_45 = tpu.memref_slice %arg9[%add3A_15, %dma_start3A_44] : memref<10240x128xf32, #tpu.memory_space<vmem_shared>> -> memref<128x128xf32, #tpu.memory_space<vmem_shared>>
      tpu.enqueue_dma source(%arg8 : memref<128x128xf32, #tpu.memory_space<vmem>>) target(%dma_start3A_45 : memref<128x128xf32, #tpu.memory_space<vmem_shared>>) target_semaphore(%run_scoped3A : memref<!tpu.dma_semaphore, #tpu.memory_space<semaphore_mem>>)
      %dma_wait3A = arith.constant 0 : i32
      %dma_wait3A_46 = tpu.memref_slice %arg9[%add3A_15, %dma_wait3A] : memref<10240x128xf32, #tpu.memory_space<vmem_shared>> -> memref<128x128xf32, #tpu.memory_space<vmem_shared>>
      %dma_wait3A_47 = arith.constant 0 : i32
      %dma_wait3A_48 = tpu.memref_slice %arg9[%add3A_15, %dma_wait3A_47] : memref<10240x128xf32, #tpu.memory_space<vmem_shared>> -> memref<128x128xf32, #tpu.memory_space<vmem_shared>>
      tpu.wait_dma2 semaphore(%run_scoped3A : memref<!tpu.dma_semaphore, #tpu.memory_space<semaphore_mem>>) src(%arg8 : memref<128x128xf32, #tpu.memory_space<vmem>>) dst(%dma_wait3A_48 : memref<128x128xf32, #tpu.memory_space<vmem_shared>>)
      tpu.yield
    }) : () -> ()
    %mul3A_16 = arith.constant 640 : i32
    %mul3A_17 = arith.muli %arg1, %mul3A_16 : i32
    %add3A_18 = arith.constant 256 : i32
    %add3A_19 = arith.addi %mul3A_17, %add3A_18 : i32
    "tpu.region"() ({
      %run_scoped3A = tpu.sem_alloc : memref<!tpu.dma_semaphore, #tpu.memory_space<semaphore_mem>>
      %dma_start3A = arith.constant 0 : i32
      %dma_start3A_43 = tpu.memref_slice %arg9[%add3A_19, %dma_start3A] : memref<10240x128xf32, #tpu.memory_space<vmem_shared>> -> memref<128x128xf32, #tpu.memory_space<vmem_shared>>
      %dma_start3A_44 = arith.constant 0 : i32
      %dma_start3A_45 = tpu.memref_slice %arg9[%add3A_19, %dma_start3A_44] : memref<10240x128xf32, #tpu.memory_space<vmem_shared>> -> memref<128x128xf32, #tpu.memory_space<vmem_shared>>
      tpu.enqueue_dma source(%arg8 : memref<128x128xf32, #tpu.memory_space<vmem>>) target(%dma_start3A_45 : memref<128x128xf32, #tpu.memory_space<vmem_shared>>) target_semaphore(%run_scoped3A : memref<!tpu.dma_semaphore, #tpu.memory_space<semaphore_mem>>)
      %dma_wait3A = arith.constant 0 : i32
      %dma_wait3A_46 = tpu.memref_slice %arg9[%add3A_19, %dma_wait3A] : memref<10240x128xf32, #tpu.memory_space<vmem_shared>> -> memref<128x128xf32, #tpu.memory_space<vmem_shared>>
      %dma_wait3A_47 = arith.constant 0 : i32
      %dma_wait3A_48 = tpu.memref_slice %arg9[%add3A_19, %dma_wait3A_47] : memref<10240x128xf32, #tpu.memory_space<vmem_shared>> -> memref<128x128xf32, #tpu.memory_space<vmem_shared>>
      tpu.wait_dma2 semaphore(%run_scoped3A : memref<!tpu.dma_semaphore, #tpu.memory_space<semaphore_mem>>) src(%arg8 : memref<128x128xf32, #tpu.memory_space<vmem>>) dst(%dma_wait3A_48 : memref<128x128xf32, #tpu.memory_space<vmem_shared>>)
      tpu.yield
    }) : () -> ()
    %mul3A_20 = arith.constant 640 : i32
    %mul3A_21 = arith.muli %arg1, %mul3A_20 : i32
    %add3A_22 = arith.constant 384 : i32
    %add3A_23 = arith.addi %mul3A_21, %add3A_22 : i32
    "tpu.region"() ({
      %run_scoped3A = tpu.sem_alloc : memref<!tpu.dma_semaphore, #tpu.memory_space<semaphore_mem>>
      %dma_start3A = arith.constant 0 : i32
      %dma_start3A_43 = tpu.memref_slice %arg9[%add3A_23, %dma_start3A] : memref<10240x128xf32, #tpu.memory_space<vmem_shared>> -> memref<128x128xf32, #tpu.memory_space<vmem_shared>>
      %dma_start3A_44 = arith.constant 0 : i32
      %dma_start3A_45 = tpu.memref_slice %arg9[%add3A_23, %dma_start3A_44] : memref<10240x128xf32, #tpu.memory_space<vmem_shared>> -> memref<128x128xf32, #tpu.memory_space<vmem_shared>>
      tpu.enqueue_dma source(%arg8 : memref<128x128xf32, #tpu.memory_space<vmem>>) target(%dma_start3A_45 : memref<128x128xf32, #tpu.memory_space<vmem_shared>>) target_semaphore(%run_scoped3A : memref<!tpu.dma_semaphore, #tpu.memory_space<semaphore_mem>>)
      %dma_wait3A = arith.constant 0 : i32
      %dma_wait3A_46 = tpu.memref_slice %arg9[%add3A_23, %dma_wait3A] : memref<10240x128xf32, #tpu.memory_space<vmem_shared>> -> memref<128x128xf32, #tpu.memory_space<vmem_shared>>
      %dma_wait3A_47 = arith.constant 0 : i32
      %dma_wait3A_48 = tpu.memref_slice %arg9[%add3A_23, %dma_wait3A_47] : memref<10240x128xf32, #tpu.memory_space<vmem_shared>> -> memref<128x128xf32, #tpu.memory_space<vmem_shared>>
      tpu.wait_dma2 semaphore(%run_scoped3A : memref<!tpu.dma_semaphore, #tpu.memory_space<semaphore_mem>>) src(%arg8 : memref<128x128xf32, #tpu.memory_space<vmem>>) dst(%dma_wait3A_48 : memref<128x128xf32, #tpu.memory_space<vmem_shared>>)
      tpu.yield
    }) : () -> ()
    %mul3A_24 = arith.constant 640 : i32
    %mul3A_25 = arith.muli %arg1, %mul3A_24 : i32
    %add3A_26 = arith.constant 512 : i32
    %add3A_27 = arith.addi %mul3A_25, %add3A_26 : i32
    "tpu.region"() ({
      %run_scoped3A = tpu.sem_alloc : memref<!tpu.dma_semaphore, #tpu.memory_space<semaphore_mem>>
      %dma_start3A = arith.constant 0 : i32
      %dma_start3A_43 = tpu.memref_slice %arg9[%add3A_27, %dma_start3A] : memref<10240x128xf32, #tpu.memory_space<vmem_shared>> -> memref<128x128xf32, #tpu.memory_space<vmem_shared>>
      %dma_start3A_44 = arith.constant 0 : i32
      %dma_start3A_45 = tpu.memref_slice %arg9[%add3A_27, %dma_start3A_44] : memref<10240x128xf32, #tpu.memory_space<vmem_shared>> -> memref<128x128xf32, #tpu.memory_space<vmem_shared>>
      tpu.enqueue_dma source(%arg8 : memref<128x128xf32, #tpu.memory_space<vmem>>) target(%dma_start3A_45 : memref<128x128xf32, #tpu.memory_space<vmem_shared>>) target_semaphore(%run_scoped3A : memref<!tpu.dma_semaphore, #tpu.memory_space<semaphore_mem>>)
      %dma_wait3A = arith.constant 0 : i32
      %dma_wait3A_46 = tpu.memref_slice %arg9[%add3A_27, %dma_wait3A] : memref<10240x128xf32, #tpu.memory_space<vmem_shared>> -> memref<128x128xf32, #tpu.memory_space<vmem_shared>>
      %dma_wait3A_47 = arith.constant 0 : i32
      %dma_wait3A_48 = tpu.memref_slice %arg9[%add3A_27, %dma_wait3A_47] : memref<10240x128xf32, #tpu.memory_space<vmem_shared>> -> memref<128x128xf32, #tpu.memory_space<vmem_shared>>
      tpu.wait_dma2 semaphore(%run_scoped3A : memref<!tpu.dma_semaphore, #tpu.memory_space<semaphore_mem>>) src(%arg8 : memref<128x128xf32, #tpu.memory_space<vmem>>) dst(%dma_wait3A_48 : memref<128x128xf32, #tpu.memory_space<vmem_shared>>)
      tpu.yield
    }) : () -> ()
    %barrier3A = arith.constant 0 : index
    tpu.barrier barrier_id(%barrier3A)
    %scan3A_28 = arith.constant 0 : i32
    %scan3A_29 = arith.constant 0 : i32
    %scan3A_30 = arith.constant 79 : i32
    %scan3A_31 = arith.addi %scan3A_29, %scan3A_30 : i32
    %scan3A_32 = arith.constant 1 : i32
    %scan3A_33 = scf.for %scan3A_43 = %scan3A_29 to %scan3A_31 step %scan3A_32 iter_args(%scan3A_44 = %scan3A_28) -> (i32)  : i32 {
      %dma_start3A = arith.constant 0 : i32
      %dma_start3A_45 = tpu.memref_slice %arg6[%scan3A_43, %dma_start3A] : memref<79x128xi32, #tpu.memory_space<vmem>> -> memref<1x128xi32, #tpu.memory_space<vmem>>
      %dma_start3A_46 = tpu.memref_squeeze %dma_start3A_45 : memref<1x128xi32, #tpu.memory_space<vmem>> -> memref<128xi32, #tpu.memory_space<vmem>>
      %dma_start3A_47 = arith.constant 0 : i32
      %dma_start3A_48 = arith.constant 0 : i32
      %dma_start3A_49 = tpu.memref_slice %arg2[%dma_start3A_47, %dma_start3A_48] : memref<10240x128xf32, #tpu.memory_space<hbm>> -> memref<10240x128xf32, #tpu.memory_space<hbm>>
      tpu.enqueue_indirect_dma source(%dma_start3A_49 : memref<10240x128xf32, #tpu.memory_space<hbm>>) target(%arg8 : memref<128x128xf32, #tpu.memory_space<vmem>>) offsets(%dma_start3A_46 : memref<128xi32, #tpu.memory_space<vmem>>) semaphore(%arg10 : memref<!tpu.dma_semaphore, #tpu.memory_space<semaphore_mem>>)
      %dma_wait3A = arith.constant 0 : i32
      %dma_wait3A_50 = tpu.memref_slice %arg6[%scan3A_43, %dma_wait3A] : memref<79x128xi32, #tpu.memory_space<vmem>> -> memref<1x128xi32, #tpu.memory_space<vmem>>
      %dma_wait3A_51 = tpu.memref_squeeze %dma_wait3A_50 : memref<1x128xi32, #tpu.memory_space<vmem>> -> memref<128xi32, #tpu.memory_space<vmem>>
      %dma_wait3A_52 = arith.constant 0 : i32
      %dma_wait3A_53 = arith.constant 0 : i32
      %dma_wait3A_54 = tpu.memref_slice %arg2[%dma_wait3A_52, %dma_wait3A_53] : memref<10240x128xf32, #tpu.memory_space<hbm>> -> memref<10240x128xf32, #tpu.memory_space<hbm>>
      tpu.wait_indirect_dma semaphore(%arg10 : memref<!tpu.dma_semaphore, #tpu.memory_space<semaphore_mem>>) src(%dma_wait3A_54 : memref<10240x128xf32, #tpu.memory_space<hbm>>) dst(%arg8 : memref<128x128xf32, #tpu.memory_space<vmem>>)
      "tpu.region"() ({
        %run_scoped3A = tpu.sem_alloc : memref<!tpu.dma_semaphore, #tpu.memory_space<semaphore_mem>>
        %dma_start3A_56 = arith.constant 0 : i32
        %dma_start3A_57 = tpu.memref_slice %arg7[%scan3A_43, %dma_start3A_56] : memref<79x128xi32, #tpu.memory_space<vmem>> -> memref<1x128xi32, #tpu.memory_space<vmem>>
        %dma_start3A_58 = tpu.memref_squeeze %dma_start3A_57 : memref<1x128xi32, #tpu.memory_space<vmem>> -> memref<128xi32, #tpu.memory_space<vmem>>
        %dma_start3A_59 = arith.constant 0 : i32
        %dma_start3A_60 = arith.constant 0 : i32
        %dma_start3A_61 = tpu.memref_slice %arg9[%dma_start3A_59, %dma_start3A_60] : memref<10240x128xf32, #tpu.memory_space<vmem_shared>> -> memref<10240x128xf32, #tpu.memory_space<vmem_shared>>
        tpu.enqueue_indirect_dma source(%arg8 : memref<128x128xf32, #tpu.memory_space<vmem>>) target(%dma_start3A_61 : memref<10240x128xf32, #tpu.memory_space<vmem_shared>>) offsets(%dma_start3A_58 : memref<128xi32, #tpu.memory_space<vmem>>) semaphore(%run_scoped3A : memref<!tpu.dma_semaphore, #tpu.memory_space<semaphore_mem>>) {add = true}
        %dma_wait3A_62 = arith.constant 0 : i32
        %dma_wait3A_63 = tpu.memref_slice %arg7[%scan3A_43, %dma_wait3A_62] : memref<79x128xi32, #tpu.memory_space<vmem>> -> memref<1x128xi32, #tpu.memory_space<vmem>>
        %dma_wait3A_64 = tpu.memref_squeeze %dma_wait3A_63 : memref<1x128xi32, #tpu.memory_space<vmem>> -> memref<128xi32, #tpu.memory_space<vmem>>
        %dma_wait3A_65 = arith.constant 0 : i32
        %dma_wait3A_66 = arith.constant 0 : i32
        %dma_wait3A_67 = tpu.memref_slice %arg9[%dma_wait3A_65, %dma_wait3A_66] : memref<10240x128xf32, #tpu.memory_space<vmem_shared>> -> memref<10240x128xf32, #tpu.memory_space<vmem_shared>>
        tpu.wait_indirect_dma semaphore(%run_scoped3A : memref<!tpu.dma_semaphore, #tpu.memory_space<semaphore_mem>>) src(%arg8 : memref<128x128xf32, #tpu.memory_space<vmem>>) dst(%dma_wait3A_67 : memref<10240x128xf32, #tpu.memory_space<vmem_shared>>)
        tpu.yield
      }) : () -> ()
      %scan3A_55 = arith.constant 0 : i32
      scf.yield %scan3A_55 : i32
    }
    %scan3A_34 = arith.constant 79 : i32
    %barrier3A_35 = arith.constant 0 : index
    tpu.barrier barrier_id(%barrier3A_35)
    %mul3A_36 = arith.constant 640 : i32
    %mul3A_37 = arith.muli %arg1, %mul3A_36 : i32
    %mul3A_38 = arith.constant 10240 : i32
    %mul3A_39 = arith.muli %arg0, %mul3A_38 : i32
    %mul3A_40 = arith.constant 640 : i32
    %mul3A_41 = arith.muli %arg1, %mul3A_40 : i32
    %add3A_42 = arith.addi %mul3A_39, %mul3A_41 : i32
    "tpu.region"() ({
      %run_scoped3A = tpu.sem_alloc : memref<!tpu.dma_semaphore, #tpu.memory_space<semaphore_mem>>
      %dma_start3A = arith.constant 0 : i32
      %dma_start3A_43 = tpu.memref_slice %arg5[%add3A_42, %dma_start3A] : memref<20480x128xf32, #tpu.memory_space<hbm>> -> memref<640x128xf32, #tpu.memory_space<hbm>>
      %dma_start3A_44 = arith.constant 0 : i32
      %dma_start3A_45 = tpu.memref_slice %arg9[%mul3A_37, %dma_start3A_44] : memref<10240x128xf32, #tpu.memory_space<vmem_shared>> -> memref<640x128xf32, #tpu.memory_space<vmem_shared>>
      tpu.enqueue_dma source(%dma_start3A_45 : memref<640x128xf32, #tpu.memory_space<vmem_shared>>) target(%dma_start3A_43 : memref<640x128xf32, #tpu.memory_space<hbm>>) target_semaphore(%run_scoped3A : memref<!tpu.dma_semaphore, #tpu.memory_space<semaphore_mem>>)
      %dma_wait3A = arith.constant 0 : i32
      %dma_wait3A_46 = tpu.memref_slice %arg5[%add3A_42, %dma_wait3A] : memref<20480x128xf32, #tpu.memory_space<hbm>> -> memref<640x128xf32, #tpu.memory_space<hbm>>
      %dma_wait3A_47 = arith.constant 0 : i32
      %dma_wait3A_48 = tpu.memref_slice %arg9[%mul3A_37, %dma_wait3A_47] : memref<10240x128xf32, #tpu.memory_space<vmem_shared>> -> memref<640x128xf32, #tpu.memory_space<vmem_shared>>
      tpu.wait_dma2 semaphore(%run_scoped3A : memref<!tpu.dma_semaphore, #tpu.memory_space<semaphore_mem>>) src(%dma_wait3A_48 : memref<640x128xf32, #tpu.memory_space<vmem_shared>>) dst(%dma_wait3A_46 : memref<640x128xf32, #tpu.memory_space<hbm>>)
      tpu.yield
    }) : () -> ()
    return
  }
}

module attributes {stable_mosaic.version = 14 : i64} {
  func.func @_prep_body(%arg0: i32, %arg1: memref<1024x128xf32, #tpu.memory_space<vmem>>, %arg2: memref<128x128xf32, #tpu.memory_space<vmem>>, %arg3: memref<2x1024x128xf32, #tpu.memory_space<vmem>>, %arg4: memref<1024x128xf32, #tpu.memory_space<vmem>>) attributes {dimension_semantics = [#tpu.dimension_semantics<arbitrary>], iteration_bounds = array<i64: 10>, scalar_prefetch = 0 : i64, scratch_operands = 0 : i64, tpu.core_type = #tpu.core_type<tc>, window_params = [{transform_indices = @transform_0, window_bounds = array<i64: 1024, 128>}, {pipeline_mode = #tpu.pipeline_mode<synchronous>, transform_indices = @transform_1, window_bounds = array<i64: 128, 128>}, {transform_indices = @transform_2, window_bounds = array<i64: 2, 1024, 128>}, {transform_indices = @transform_3, window_bounds = array<i64: 1024, 128>}]} {
    %get3A = arith.constant 0 : index
    %get3A_0 = arith.constant 0 : index
    %get3A_1 = arith.constant 0 : index
    %get3A_2 = vector.load %arg3[%get3A, %get3A_0, %get3A_1] : memref<2x1024x128xf32, #tpu.memory_space<vmem>>, vector<1x1024x1xf32>
    %get3A_3 = vector.shape_cast %get3A_2 : vector<1x1024x1xf32> to vector<1024xf32>
    %get3A_4 = arith.constant 1 : index
    %get3A_5 = arith.constant 0 : index
    %get3A_6 = arith.constant 0 : index
    %get3A_7 = vector.load %arg3[%get3A_4, %get3A_5, %get3A_6] : memref<2x1024x128xf32, #tpu.memory_space<vmem>>, vector<1x1024x1xf32>
    %get3A_8 = vector.shape_cast %get3A_7 : vector<1x1024x1xf32> to vector<1024xf32>
    %add3A = arith.addf %get3A_3, %get3A_8 : vector<1024xf32>
    %add3A_9 = arith.constant 1.000000e+00 : f32
    %add3A_10 = vector.broadcast %add3A_9 : f32 to vector<1024xf32>
    %add3A_11 = arith.addf %add3A, %add3A_10 : vector<1024xf32>
    %rsqrt3A = math.rsqrt %add3A_11 : vector<1024xf32>
    %get3A_12 = arith.constant 0 : index
    %get3A_13 = arith.constant 0 : index
    %get3A_14 = vector.load %arg1[%get3A_12, %get3A_13] : memref<1024x128xf32, #tpu.memory_space<vmem>>, vector<1024x128xf32>
    %get3A_15 = arith.constant 0 : index
    %get3A_16 = arith.constant 0 : index
    %get3A_17 = vector.load %arg2[%get3A_15, %get3A_16] : memref<128x128xf32, #tpu.memory_space<vmem>>, vector<128x128xf32>
    %dot_general3A = arith.constant dense<0.000000e+00> : vector<1024x128xf32>
    %dot_general3A_18 = tpu.matmul %get3A_14, %get3A_17, %dot_general3A {dimension_numbers = #tpu.dot_dimension_numbers<[1], [0], [0], [1], [0, 0, 1, 1], [], []>, transpose_lhs_hint = false} : vector<1024x128xf32>, vector<128x128xf32>, vector<1024x128xf32> -> vector<1024x128xf32>
    %broadcast_in_dim3A = vector.shape_cast %rsqrt3A : vector<1024xf32> to vector<1024x1xf32>
    %mul3A = vector.broadcast %broadcast_in_dim3A : vector<1024x1xf32> to vector<1024x128xf32>
    %mul3A_19 = arith.mulf %dot_general3A_18, %mul3A : vector<1024x128xf32>
    %swap3A = arith.constant 0 : index
    %swap3A_20 = arith.constant 0 : index
    %swap3A_21 = vector.load %arg4[%swap3A, %swap3A_20] : memref<1024x128xf32, #tpu.memory_space<vmem>>, vector<1024x128xf32>
    tpu.vector_store %arg4[%swap3A, %swap3A_20], %mul3A_19 {strides = array<i32>} : memref<1024x128xf32, #tpu.memory_space<vmem>>, vector<1024x128xf32>,
    return
  }
  func.func @transform_0(%arg0: i32) -> (i32, i32) {
    %c0_i32 = arith.constant 0 : i32
    %c0_i32_0 = arith.constant 0 : i32
    return %arg0, %c0_i32 : i32, i32
  }
  func.func @transform_1(%arg0: i32) -> (i32, i32) {
    %c0_i32 = arith.constant 0 : i32
    %c0_i32_0 = arith.constant 0 : i32
    %c0_i32_1 = arith.constant 0 : i32
    return %c0_i32, %c0_i32_0 : i32, i32
  }
  func.func @transform_2(%arg0: i32) -> (i32, i32, i32) {
    %c0_i32 = arith.constant 0 : i32
    %c0_i32_0 = arith.constant 0 : i32
    %c0_i32_1 = arith.constant 0 : i32
    return %c0_i32, %arg0, %c0_i32_0 : i32, i32, i32
  }
  func.func @transform_3(%arg0: i32) -> (i32, i32) {
    %c0_i32 = arith.constant 0 : i32
    %c0_i32_0 = arith.constant 0 : i32
    return %arg0, %c0_i32 : i32, i32
  }
}

module attributes {stable_mosaic.version = 14 : i64} {
  func.func @_mid_body(%arg0: i32, %arg1: memref<2x1024x128xf32, #tpu.memory_space<vmem>>, %arg2: memref<1024x128xf32, #tpu.memory_space<vmem>>, %arg3: memref<2x1024x128xf32, #tpu.memory_space<vmem>>, %arg4: memref<1x128xf32, #tpu.memory_space<vmem>>, %arg5: memref<128x128xf32, #tpu.memory_space<vmem>>, %arg6: memref<1024x128xf32, #tpu.memory_space<vmem>>) attributes {dimension_semantics = [#tpu.dimension_semantics<arbitrary>], iteration_bounds = array<i64: 10>, scalar_prefetch = 0 : i64, scratch_operands = 0 : i64, tpu.core_type = #tpu.core_type<tc>, window_params = [{transform_indices = @transform_0, window_bounds = array<i64: 2, 1024, 128>}, {transform_indices = @transform_1, window_bounds = array<i64: 1024, 128>}, {transform_indices = @transform_2, window_bounds = array<i64: 2, 1024, 128>}, {pipeline_mode = #tpu.pipeline_mode<synchronous>, transform_indices = @transform_3, window_bounds = array<i64: 1, 128>}, {pipeline_mode = #tpu.pipeline_mode<synchronous>, transform_indices = @transform_4, window_bounds = array<i64: 128, 128>}, {transform_indices = @transform_5, window_bounds = array<i64: 1024, 128>}]} {
    %get3A = arith.constant 0 : index
    %get3A_0 = arith.constant 0 : index
    %get3A_1 = arith.constant 0 : index
    %get3A_2 = vector.load %arg3[%get3A, %get3A_0, %get3A_1] : memref<2x1024x128xf32, #tpu.memory_space<vmem>>, vector<1x1024x1xf32>
    %get3A_3 = vector.shape_cast %get3A_2 : vector<1x1024x1xf32> to vector<1024xf32>
    %get3A_4 = arith.constant 1 : index
    %get3A_5 = arith.constant 0 : index
    %get3A_6 = arith.constant 0 : index
    %get3A_7 = vector.load %arg3[%get3A_4, %get3A_5, %get3A_6] : memref<2x1024x128xf32, #tpu.memory_space<vmem>>, vector<1x1024x1xf32>
    %get3A_8 = vector.shape_cast %get3A_7 : vector<1x1024x1xf32> to vector<1024xf32>
    %add3A = arith.addf %get3A_3, %get3A_8 : vector<1024xf32>
    %add3A_9 = arith.constant 1.000000e+00 : f32
    %add3A_10 = vector.broadcast %add3A_9 : f32 to vector<1024xf32>
    %add3A_11 = arith.addf %add3A, %add3A_10 : vector<1024xf32>
    %rsqrt3A = math.rsqrt %add3A_11 : vector<1024xf32>
    %get3A_12 = arith.constant 0 : index
    %get3A_13 = arith.constant 0 : index
    %get3A_14 = arith.constant 0 : index
    %get3A_15 = vector.load %arg1[%get3A_12, %get3A_13, %get3A_14] : memref<2x1024x128xf32, #tpu.memory_space<vmem>>, vector<1x1024x128xf32>
    %get3A_16 = vector.shape_cast %get3A_15 : vector<1x1024x128xf32> to vector<1024x128xf32>
    %get3A_17 = arith.constant 1 : index
    %get3A_18 = arith.constant 0 : index
    %get3A_19 = arith.constant 0 : index
    %get3A_20 = vector.load %arg1[%get3A_17, %get3A_18, %get3A_19] : memref<2x1024x128xf32, #tpu.memory_space<vmem>>, vector<1x1024x128xf32>
    %get3A_21 = vector.shape_cast %get3A_20 : vector<1x1024x128xf32> to vector<1024x128xf32>
    %add3A_22 = arith.addf %get3A_16, %get3A_21 : vector<1024x128xf32>
    %get3A_23 = arith.constant 0 : index
    %get3A_24 = arith.constant 0 : index
    %get3A_25 = vector.load %arg2[%get3A_23, %get3A_24] : memref<1024x128xf32, #tpu.memory_space<vmem>>, vector<1024x128xf32>
    %add3A_26 = arith.addf %add3A_22, %get3A_25 : vector<1024x128xf32>
    %broadcast_in_dim3A = vector.shape_cast %rsqrt3A : vector<1024xf32> to vector<1024x1xf32>
    %mul3A = vector.broadcast %broadcast_in_dim3A : vector<1024x1xf32> to vector<1024x128xf32>
    %mul3A_27 = arith.mulf %add3A_26, %mul3A : vector<1024x128xf32>
    %get3A_28 = arith.constant 0 : index
    %get3A_29 = arith.constant 0 : index
    %get3A_30 = vector.load %arg4[%get3A_28, %get3A_29] : memref<1x128xf32, #tpu.memory_space<vmem>>, vector<1x128xf32>
    %get3A_31 = vector.shape_cast %get3A_30 : vector<1x128xf32> to vector<128xf32>
    %broadcast_in_dim3A_32 = vector.shape_cast %get3A_31 : vector<128xf32> to vector<1x128xf32>
    %add3A_33 = vector.broadcast %broadcast_in_dim3A_32 : vector<1x128xf32> to vector<1024x128xf32>
    %add3A_34 = arith.addf %mul3A_27, %add3A_33 : vector<1024x128xf32>
    %max3A = arith.constant 0.000000e+00 : f32
    %max3A_35 = vector.broadcast %max3A : f32 to vector<1024x128xf32>
    %max3A_36 = arith.maximumf %add3A_34, %max3A_35 : vector<1024x128xf32>
    %get3A_37 = arith.constant 0 : index
    %get3A_38 = arith.constant 0 : index
    %get3A_39 = vector.load %arg5[%get3A_37, %get3A_38] : memref<128x128xf32, #tpu.memory_space<vmem>>, vector<128x128xf32>
    %dot_general3A = arith.constant dense<0.000000e+00> : vector<1024x128xf32>
    %dot_general3A_40 = tpu.matmul %max3A_36, %get3A_39, %dot_general3A {dimension_numbers = #tpu.dot_dimension_numbers<[1], [0], [0], [1], [0, 0, 1, 1], [], []>, transpose_lhs_hint = false} : vector<1024x128xf32>, vector<128x128xf32>, vector<1024x128xf32> -> vector<1024x128xf32>
    %broadcast_in_dim3A_41 = vector.shape_cast %rsqrt3A : vector<1024xf32> to vector<1024x1xf32>
    %mul3A_42 = vector.broadcast %broadcast_in_dim3A_41 : vector<1024x1xf32> to vector<1024x128xf32>
    %mul3A_43 = arith.mulf %dot_general3A_40, %mul3A_42 : vector<1024x128xf32>
    %swap3A = arith.constant 0 : index
    %swap3A_44 = arith.constant 0 : index
    %swap3A_45 = vector.load %arg6[%swap3A, %swap3A_44] : memref<1024x128xf32, #tpu.memory_space<vmem>>, vector<1024x128xf32>
    tpu.vector_store %arg6[%swap3A, %swap3A_44], %mul3A_43 {strides = array<i32>} : memref<1024x128xf32, #tpu.memory_space<vmem>>, vector<1024x128xf32>,
    return
  }
  func.func @transform_0(%arg0: i32) -> (i32, i32, i32) {
    %c0_i32 = arith.constant 0 : i32
    %c0_i32_0 = arith.constant 0 : i32
    %c0_i32_1 = arith.constant 0 : i32
    return %c0_i32, %arg0, %c0_i32_0 : i32, i32, i32
  }
  func.func @transform_1(%arg0: i32) -> (i32, i32) {
    %c0_i32 = arith.constant 0 : i32
    %c0_i32_0 = arith.constant 0 : i32
    return %arg0, %c0_i32 : i32, i32
  }
  func.func @transform_2(%arg0: i32) -> (i32, i32, i32) {
    %c0_i32 = arith.constant 0 : i32
    %c0_i32_0 = arith.constant 0 : i32
    %c0_i32_1 = arith.constant 0 : i32
    return %c0_i32, %arg0, %c0_i32_0 : i32, i32, i32
  }
  func.func @transform_3(%arg0: i32) -> (i32, i32) {
    %c0_i32 = arith.constant 0 : i32
    %c0_i32_0 = arith.constant 0 : i32
    %c0_i32_1 = arith.constant 0 : i32
    return %c0_i32, %c0_i32_0 : i32, i32
  }
  func.func @transform_4(%arg0: i32) -> (i32, i32) {
    %c0_i32 = arith.constant 0 : i32
    %c0_i32_0 = arith.constant 0 : i32
    %c0_i32_1 = arith.constant 0 : i32
    return %c0_i32, %c0_i32_0 : i32, i32
  }
  func.func @transform_5(%arg0: i32) -> (i32, i32) {
    %c0_i32 = arith.constant 0 : i32
    %c0_i32_0 = arith.constant 0 : i32
    return %arg0, %c0_i32 : i32, i32
  }
}

module attributes {stable_mosaic.version = 14 : i64} {
  func.func @_gi_body(%arg0: i32, %arg1: memref<2x1024x128xf32, #tpu.memory_space<vmem>>, %arg2: memref<1024x128xf32, #tpu.memory_space<vmem>>, %arg3: memref<2x1024x128xf32, #tpu.memory_space<vmem>>, %arg4: memref<1x128xf32, #tpu.memory_space<vmem>>, %arg5: memref<128x384xf32, #tpu.memory_space<vmem>>, %arg6: memref<1x384xf32, #tpu.memory_space<vmem>>, %arg7: memref<1024x384xf32, #tpu.memory_space<vmem>>) attributes {dimension_semantics = [#tpu.dimension_semantics<arbitrary>], iteration_bounds = array<i64: 10>, scalar_prefetch = 0 : i64, scratch_operands = 0 : i64, tpu.core_type = #tpu.core_type<tc>, window_params = [{transform_indices = @transform_0, window_bounds = array<i64: 2, 1024, 128>}, {transform_indices = @transform_1, window_bounds = array<i64: 1024, 128>}, {transform_indices = @transform_2, window_bounds = array<i64: 2, 1024, 128>}, {pipeline_mode = #tpu.pipeline_mode<synchronous>, transform_indices = @transform_3, window_bounds = array<i64: 1, 128>}, {pipeline_mode = #tpu.pipeline_mode<synchronous>, transform_indices = @transform_4, window_bounds = array<i64: 128, 384>}, {pipeline_mode = #tpu.pipeline_mode<synchronous>, transform_indices = @transform_5, window_bounds = array<i64: 1, 384>}, {transform_indices = @transform_6, window_bounds = array<i64: 1024, 384>}]} {
    %get3A = arith.constant 0 : index
    %get3A_0 = arith.constant 0 : index
    %get3A_1 = arith.constant 0 : index
    %get3A_2 = vector.load %arg3[%get3A, %get3A_0, %get3A_1] : memref<2x1024x128xf32, #tpu.memory_space<vmem>>, vector<1x1024x1xf32>
    %get3A_3 = vector.shape_cast %get3A_2 : vector<1x1024x1xf32> to vector<1024xf32>
    %get3A_4 = arith.constant 1 : index
    %get3A_5 = arith.constant 0 : index
    %get3A_6 = arith.constant 0 : index
    %get3A_7 = vector.load %arg3[%get3A_4, %get3A_5, %get3A_6] : memref<2x1024x128xf32, #tpu.memory_space<vmem>>, vector<1x1024x1xf32>
    %get3A_8 = vector.shape_cast %get3A_7 : vector<1x1024x1xf32> to vector<1024xf32>
    %add3A = arith.addf %get3A_3, %get3A_8 : vector<1024xf32>
    %add3A_9 = arith.constant 1.000000e+00 : f32
    %add3A_10 = vector.broadcast %add3A_9 : f32 to vector<1024xf32>
    %add3A_11 = arith.addf %add3A, %add3A_10 : vector<1024xf32>
    %rsqrt3A = math.rsqrt %add3A_11 : vector<1024xf32>
    %get3A_12 = arith.constant 0 : index
    %get3A_13 = arith.constant 0 : index
    %get3A_14 = arith.constant 0 : index
    %get3A_15 = vector.load %arg1[%get3A_12, %get3A_13, %get3A_14] : memref<2x1024x128xf32, #tpu.memory_space<vmem>>, vector<1x1024x128xf32>
    %get3A_16 = vector.shape_cast %get3A_15 : vector<1x1024x128xf32> to vector<1024x128xf32>
    %get3A_17 = arith.constant 1 : index
    %get3A_18 = arith.constant 0 : index
    %get3A_19 = arith.constant 0 : index
    %get3A_20 = vector.load %arg1[%get3A_17, %get3A_18, %get3A_19] : memref<2x1024x128xf32, #tpu.memory_space<vmem>>, vector<1x1024x128xf32>
    %get3A_21 = vector.shape_cast %get3A_20 : vector<1x1024x128xf32> to vector<1024x128xf32>
    %add3A_22 = arith.addf %get3A_16, %get3A_21 : vector<1024x128xf32>
    %get3A_23 = arith.constant 0 : index
    %get3A_24 = arith.constant 0 : index
    %get3A_25 = vector.load %arg2[%get3A_23, %get3A_24] : memref<1024x128xf32, #tpu.memory_space<vmem>>, vector<1024x128xf32>
    %add3A_26 = arith.addf %add3A_22, %get3A_25 : vector<1024x128xf32>
    %broadcast_in_dim3A = vector.shape_cast %rsqrt3A : vector<1024xf32> to vector<1024x1xf32>
    %mul3A = vector.broadcast %broadcast_in_dim3A : vector<1024x1xf32> to vector<1024x128xf32>
    %mul3A_27 = arith.mulf %add3A_26, %mul3A : vector<1024x128xf32>
    %get3A_28 = arith.constant 0 : index
    %get3A_29 = arith.constant 0 : index
    %get3A_30 = vector.load %arg4[%get3A_28, %get3A_29] : memref<1x128xf32, #tpu.memory_space<vmem>>, vector<1x128xf32>
    %get3A_31 = vector.shape_cast %get3A_30 : vector<1x128xf32> to vector<128xf32>
    %broadcast_in_dim3A_32 = vector.shape_cast %get3A_31 : vector<128xf32> to vector<1x128xf32>
    %add3A_33 = vector.broadcast %broadcast_in_dim3A_32 : vector<1x128xf32> to vector<1024x128xf32>
    %add3A_34 = arith.addf %mul3A_27, %add3A_33 : vector<1024x128xf32>
    %max3A = arith.constant 0.000000e+00 : f32
    %max3A_35 = vector.broadcast %max3A : f32 to vector<1024x128xf32>
    %max3A_36 = arith.maximumf %add3A_34, %max3A_35 : vector<1024x128xf32>
    %get3A_37 = arith.constant 0 : index
    %get3A_38 = arith.constant 0 : index
    %get3A_39 = vector.load %arg5[%get3A_37, %get3A_38] : memref<128x384xf32, #tpu.memory_space<vmem>>, vector<128x384xf32>
    %dot_general3A = arith.constant dense<0.000000e+00> : vector<1024x384xf32>
    %dot_general3A_40 = tpu.matmul %max3A_36, %get3A_39, %dot_general3A {dimension_numbers = #tpu.dot_dimension_numbers<[1], [0], [0], [1], [0, 0, 1, 1], [], []>, transpose_lhs_hint = false} : vector<1024x128xf32>, vector<128x384xf32>, vector<1024x384xf32> -> vector<1024x384xf32>
    %get3A_41 = arith.constant 0 : index
    %get3A_42 = arith.constant 0 : index
    %get3A_43 = vector.load %arg6[%get3A_41, %get3A_42] : memref<1x384xf32, #tpu.memory_space<vmem>>, vector<1x384xf32>
    %get3A_44 = vector.shape_cast %get3A_43 : vector<1x384xf32> to vector<384xf32>
    %broadcast_in_dim3A_45 = vector.shape_cast %get3A_44 : vector<384xf32> to vector<1x384xf32>
    %add3A_46 = vector.broadcast %broadcast_in_dim3A_45 : vector<1x384xf32> to vector<1024x384xf32>
    %add3A_47 = arith.addf %dot_general3A_40, %add3A_46 : vector<1024x384xf32>
    %swap3A = arith.constant 0 : index
    %swap3A_48 = arith.constant 0 : index
    %swap3A_49 = vector.load %arg7[%swap3A, %swap3A_48] : memref<1024x384xf32, #tpu.memory_space<vmem>>, vector<1024x384xf32>
    tpu.vector_store %arg7[%swap3A, %swap3A_48], %add3A_47 {strides = array<i32>} : memref<1024x384xf32, #tpu.memory_space<vmem>>, vector<1024x384xf32>,
    return
  }
  func.func @transform_0(%arg0: i32) -> (i32, i32, i32) {
    %c0_i32 = arith.constant 0 : i32
    %c0_i32_0 = arith.constant 0 : i32
    %c0_i32_1 = arith.constant 0 : i32
    return %c0_i32, %arg0, %c0_i32_0 : i32, i32, i32
  }
  func.func @transform_1(%arg0: i32) -> (i32, i32) {
    %c0_i32 = arith.constant 0 : i32
    %c0_i32_0 = arith.constant 0 : i32
    return %arg0, %c0_i32 : i32, i32
  }
  func.func @transform_2(%arg0: i32) -> (i32, i32, i32) {
    %c0_i32 = arith.constant 0 : i32
    %c0_i32_0 = arith.constant 0 : i32
    %c0_i32_1 = arith.constant 0 : i32
    return %c0_i32, %arg0, %c0_i32_0 : i32, i32, i32
  }
  func.func @transform_3(%arg0: i32) -> (i32, i32) {
    %c0_i32 = arith.constant 0 : i32
    %c0_i32_0 = arith.constant 0 : i32
    %c0_i32_1 = arith.constant 0 : i32
    return %c0_i32, %c0_i32_0 : i32, i32
  }
  func.func @transform_4(%arg0: i32) -> (i32, i32) {
    %c0_i32 = arith.constant 0 : i32
    %c0_i32_0 = arith.constant 0 : i32
    %c0_i32_1 = arith.constant 0 : i32
    return %c0_i32, %c0_i32_0 : i32, i32
  }
  func.func @transform_5(%arg0: i32) -> (i32, i32) {
    %c0_i32 = arith.constant 0 : i32
    %c0_i32_0 = arith.constant 0 : i32
    %c0_i32_1 = arith.constant 0 : i32
    return %c0_i32, %c0_i32_0 : i32, i32
  }
  func.func @transform_6(%arg0: i32) -> (i32, i32) {
    %c0_i32 = arith.constant 0 : i32
    %c0_i32_0 = arith.constant 0 : i32
    return %arg0, %c0_i32 : i32, i32
  }
}

module attributes {stable_mosaic.version = 14 : i64} {
  func.func @_gru_body(%arg0: i32, %arg1: memref<20x8x384xf32, #tpu.memory_space<vmem>>, %arg2: memref<128x384xf32, #tpu.memory_space<vmem>>, %arg3: memref<1x384xf32, #tpu.memory_space<vmem>>, %arg4: memref<20x8x128xf32, #tpu.memory_space<vmem>>, %arg5: memref<20x128xf32, #tpu.memory_space<vmem>>) attributes {dimension_semantics = [#tpu.dimension_semantics<arbitrary>], iteration_bounds = array<i64: 63>, scalar_prefetch = 0 : i64, scratch_operands = 1 : i64, tpu.core_type = #tpu.core_type<tc>, window_params = [{transform_indices = @transform_0, window_bounds = array<i64: 20, 8, 384>}, {pipeline_mode = #tpu.pipeline_mode<synchronous>, transform_indices = @transform_1, window_bounds = array<i64: 128, 384>}, {pipeline_mode = #tpu.pipeline_mode<synchronous>, transform_indices = @transform_2, window_bounds = array<i64: 1, 384>}, {transform_indices = @transform_3, window_bounds = array<i64: 20, 8, 128>}]} {
    %eq3A = arith.constant 0 : i32
    %eq3A_0 = arith.cmpi eq, %arg0, %eq3A : i32
    %convert_element_type3A = arith.extui %eq3A_0 : i1 to i32
    %cond3A = arith.constant 0 : i32
    %cond3A_1 = arith.cmpi ne, %convert_element_type3A, %cond3A : i32
    scf.if %cond3A_1 {
      %broadcast_in_dim3A_358 = arith.constant 0.000000e+00 : f32
      %broadcast_in_dim3A_359 = vector.broadcast %broadcast_in_dim3A_358 : f32 to vector<20x128xf32>
      %swap3A_360 = arith.constant 0 : index
      %swap3A_361 = arith.constant 0 : index
      %swap3A_362 = vector.load %arg5[%swap3A_360, %swap3A_361] : memref<20x128xf32, #tpu.memory_space<vmem>>, vector<20x128xf32>
      tpu.vector_store %arg5[%swap3A_360, %swap3A_361], %broadcast_in_dim3A_359 {strides = array<i32>} : memref<20x128xf32, #tpu.memory_space<vmem>>, vector<20x128xf32>,
    } else {
    }
    %get3A = arith.constant 0 : index
    %get3A_2 = arith.constant 0 : index
    %get3A_3 = vector.load %arg5[%get3A, %get3A_2] : memref<20x128xf32, #tpu.memory_space<vmem>>, vector<20x128xf32>
    %get3A_4 = arith.constant 0 : index
    %get3A_5 = arith.constant 0 : index
    %get3A_6 = vector.load %arg2[%get3A_4, %get3A_5] : memref<128x384xf32, #tpu.memory_space<vmem>>, vector<128x384xf32>
    %get3A_7 = arith.constant 0 : index
    %get3A_8 = arith.constant 0 : index
    %get3A_9 = vector.load %arg3[%get3A_7, %get3A_8] : memref<1x384xf32, #tpu.memory_space<vmem>>, vector<1x384xf32>
    %get3A_10 = vector.shape_cast %get3A_9 : vector<1x384xf32> to vector<384xf32>
    %broadcast_in_dim3A = vector.shape_cast %get3A_10 : vector<384xf32> to vector<1x384xf32>
    %get3A_11 = arith.constant 0 : index
    %get3A_12 = arith.constant 0 : index
    %get3A_13 = arith.constant 0 : index
    %get3A_14 = vector.load %arg1[%get3A_11, %get3A_12, %get3A_13] : memref<20x8x384xf32, #tpu.memory_space<vmem>>, vector<20x1x384xf32>
    %get3A_15 = vector.shape_cast %get3A_14 : vector<20x1x384xf32> to vector<20x384xf32>
    %dot_general3A = arith.constant dense<0.000000e+00> : vector<20x384xf32>
    %dot_general3A_16 = tpu.matmul %get3A_3, %get3A_6, %dot_general3A {dimension_numbers = #tpu.dot_dimension_numbers<[1], [0], [0], [1], [0, 0, 1, 1], [], []>, transpose_lhs_hint = false} : vector<20x128xf32>, vector<128x384xf32>, vector<20x384xf32> -> vector<20x384xf32>
    %add3A = vector.broadcast %broadcast_in_dim3A : vector<1x384xf32> to vector<20x384xf32>
    %add3A_17 = arith.addf %dot_general3A_16, %add3A : vector<20x384xf32>
    %slice3A = vector.extract_strided_slice %get3A_15 {offsets = [0, 0], sizes = [20, 128], strides = [1, 1]} : vector<20x384xf32> to vector<20x128xf32>
    %slice3A_18 = vector.extract_strided_slice %add3A_17 {offsets = [0, 0], sizes = [20, 128], strides = [1, 1]} : vector<20x384xf32> to vector<20x128xf32>
    %add3A_19 = arith.addf %slice3A, %slice3A_18 : vector<20x128xf32>
    %logistic3A = arith.negf %add3A_19 : vector<20x128xf32>
    %logistic3A_20 = math.exp %logistic3A : vector<20x128xf32>
    %logistic3A_21 = arith.constant 1.000000e+00 : f32
    %logistic3A_22 = vector.broadcast %logistic3A_21 : f32 to vector<20x128xf32>
    %logistic3A_23 = arith.addf %logistic3A_22, %logistic3A_20 : vector<20x128xf32>
    %logistic3A_24 = arith.divf %logistic3A_22, %logistic3A_23 : vector<20x128xf32>
    %slice3A_25 = vector.extract_strided_slice %get3A_15 {offsets = [0, 128], sizes = [20, 128], strides = [1, 1]} : vector<20x384xf32> to vector<20x128xf32>
    %slice3A_26 = vector.extract_strided_slice %add3A_17 {offsets = [0, 128], sizes = [20, 128], strides = [1, 1]} : vector<20x384xf32> to vector<20x128xf32>
    %add3A_27 = arith.addf %slice3A_25, %slice3A_26 : vector<20x128xf32>
    %logistic3A_28 = arith.negf %add3A_27 : vector<20x128xf32>
    %logistic3A_29 = math.exp %logistic3A_28 : vector<20x128xf32>
    %logistic3A_30 = arith.constant 1.000000e+00 : f32
    %logistic3A_31 = vector.broadcast %logistic3A_30 : f32 to vector<20x128xf32>
    %logistic3A_32 = arith.addf %logistic3A_31, %logistic3A_29 : vector<20x128xf32>
    %logistic3A_33 = arith.divf %logistic3A_31, %logistic3A_32 : vector<20x128xf32>
    %slice3A_34 = vector.extract_strided_slice %get3A_15 {offsets = [0, 256], sizes = [20, 128], strides = [1, 1]} : vector<20x384xf32> to vector<20x128xf32>
    %slice3A_35 = vector.extract_strided_slice %add3A_17 {offsets = [0, 256], sizes = [20, 128], strides = [1, 1]} : vector<20x384xf32> to vector<20x128xf32>
    %mul3A = arith.mulf %logistic3A_24, %slice3A_35 : vector<20x128xf32>
    %add3A_36 = arith.addf %slice3A_34, %mul3A : vector<20x128xf32>
    %tanh3A = math.tanh %add3A_36 : vector<20x128xf32>
    %sub3A = arith.constant 1.000000e+00 : f32
    %sub3A_37 = vector.broadcast %sub3A : f32 to vector<20x128xf32>
    %sub3A_38 = arith.subf %sub3A_37, %logistic3A_33 : vector<20x128xf32>
    %mul3A_39 = arith.mulf %sub3A_38, %tanh3A : vector<20x128xf32>
    %mul3A_40 = arith.mulf %logistic3A_33, %get3A_3 : vector<20x128xf32>
    %add3A_41 = arith.addf %mul3A_39, %mul3A_40 : vector<20x128xf32>
    %swap3A = arith.constant 0 : index
    %swap3A_42 = arith.constant 0 : index
    %swap3A_43 = arith.constant 0 : index
    %swap3A_44 = vector.load %arg4[%swap3A, %swap3A_42, %swap3A_43] : memref<20x8x128xf32, #tpu.memory_space<vmem>>, vector<20x1x128xf32>
    %swap3A_45 = vector.shape_cast %swap3A_44 : vector<20x1x128xf32> to vector<20x128xf32>
    %swap3A_46 = vector.shape_cast %add3A_41 : vector<20x128xf32> to vector<20x1x128xf32>
    tpu.vector_store %arg4[%swap3A, %swap3A_42, %swap3A_43], %swap3A_46 {strides = array<i32>} : memref<20x8x128xf32, #tpu.memory_space<vmem>>, vector<20x1x128xf32>,
    %get3A_47 = arith.constant 0 : index
    %get3A_48 = arith.constant 1 : index
    %get3A_49 = arith.constant 0 : index
    %get3A_50 = vector.load %arg1[%get3A_47, %get3A_48, %get3A_49] : memref<20x8x384xf32, #tpu.memory_space<vmem>>, vector<20x1x384xf32>
    %get3A_51 = vector.shape_cast %get3A_50 : vector<20x1x384xf32> to vector<20x384xf32>
    %dot_general3A_52 = arith.constant dense<0.000000e+00> : vector<20x384xf32>
    %dot_general3A_53 = tpu.matmul %add3A_41, %get3A_6, %dot_general3A_52 {dimension_numbers = #tpu.dot_dimension_numbers<[1], [0], [0], [1], [0, 0, 1, 1], [], []>, transpose_lhs_hint = false} : vector<20x128xf32>, vector<128x384xf32>, vector<20x384xf32> -> vector<20x384xf32>
    %add3A_54 = vector.broadcast %broadcast_in_dim3A : vector<1x384xf32> to vector<20x384xf32>
    %add3A_55 = arith.addf %dot_general3A_53, %add3A_54 : vector<20x384xf32>
    %slice3A_56 = vector.extract_strided_slice %get3A_51 {offsets = [0, 0], sizes = [20, 128], strides = [1, 1]} : vector<20x384xf32> to vector<20x128xf32>
    %slice3A_57 = vector.extract_strided_slice %add3A_55 {offsets = [0, 0], sizes = [20, 128], strides = [1, 1]} : vector<20x384xf32> to vector<20x128xf32>
    %add3A_58 = arith.addf %slice3A_56, %slice3A_57 : vector<20x128xf32>
    %logistic3A_59 = arith.negf %add3A_58 : vector<20x128xf32>
    %logistic3A_60 = math.exp %logistic3A_59 : vector<20x128xf32>
    %logistic3A_61 = arith.constant 1.000000e+00 : f32
    %logistic3A_62 = vector.broadcast %logistic3A_61 : f32 to vector<20x128xf32>
    %logistic3A_63 = arith.addf %logistic3A_62, %logistic3A_60 : vector<20x128xf32>
    %logistic3A_64 = arith.divf %logistic3A_62, %logistic3A_63 : vector<20x128xf32>
    %slice3A_65 = vector.extract_strided_slice %get3A_51 {offsets = [0, 128], sizes = [20, 128], strides = [1, 1]} : vector<20x384xf32> to vector<20x128xf32>
    %slice3A_66 = vector.extract_strided_slice %add3A_55 {offsets = [0, 128], sizes = [20, 128], strides = [1, 1]} : vector<20x384xf32> to vector<20x128xf32>
    %add3A_67 = arith.addf %slice3A_65, %slice3A_66 : vector<20x128xf32>
    %logistic3A_68 = arith.negf %add3A_67 : vector<20x128xf32>
    %logistic3A_69 = math.exp %logistic3A_68 : vector<20x128xf32>
    %logistic3A_70 = arith.constant 1.000000e+00 : f32
    %logistic3A_71 = vector.broadcast %logistic3A_70 : f32 to vector<20x128xf32>
    %logistic3A_72 = arith.addf %logistic3A_71, %logistic3A_69 : vector<20x128xf32>
    %logistic3A_73 = arith.divf %logistic3A_71, %logistic3A_72 : vector<20x128xf32>
    %slice3A_74 = vector.extract_strided_slice %get3A_51 {offsets = [0, 256], sizes = [20, 128], strides = [1, 1]} : vector<20x384xf32> to vector<20x128xf32>
    %slice3A_75 = vector.extract_strided_slice %add3A_55 {offsets = [0, 256], sizes = [20, 128], strides = [1, 1]} : vector<20x384xf32> to vector<20x128xf32>
    %mul3A_76 = arith.mulf %logistic3A_64, %slice3A_75 : vector<20x128xf32>
    %add3A_77 = arith.addf %slice3A_74, %mul3A_76 : vector<20x128xf32>
    %tanh3A_78 = math.tanh %add3A_77 : vector<20x128xf32>
    %sub3A_79 = arith.constant 1.000000e+00 : f32
    %sub3A_80 = vector.broadcast %sub3A_79 : f32 to vector<20x128xf32>
    %sub3A_81 = arith.subf %sub3A_80, %logistic3A_73 : vector<20x128xf32>
    %mul3A_82 = arith.mulf %sub3A_81, %tanh3A_78 : vector<20x128xf32>
    %mul3A_83 = arith.mulf %logistic3A_73, %add3A_41 : vector<20x128xf32>
    %add3A_84 = arith.addf %mul3A_82, %mul3A_83 : vector<20x128xf32>
    %swap3A_85 = arith.constant 0 : index
    %swap3A_86 = arith.constant 1 : index
    %swap3A_87 = arith.constant 0 : index
    %swap3A_88 = vector.load %arg4[%swap3A_85, %swap3A_86, %swap3A_87] : memref<20x8x128xf32, #tpu.memory_space<vmem>>, vector<20x1x128xf32>
    %swap3A_89 = vector.shape_cast %swap3A_88 : vector<20x1x128xf32> to vector<20x128xf32>
    %swap3A_90 = vector.shape_cast %add3A_84 : vector<20x128xf32> to vector<20x1x128xf32>
    tpu.vector_store %arg4[%swap3A_85, %swap3A_86, %swap3A_87], %swap3A_90 {strides = array<i32>} : memref<20x8x128xf32, #tpu.memory_space<vmem>>, vector<20x1x128xf32>,
    %get3A_91 = arith.constant 0 : index
    %get3A_92 = arith.constant 2 : index
    %get3A_93 = arith.constant 0 : index
    %get3A_94 = vector.load %arg1[%get3A_91, %get3A_92, %get3A_93] : memref<20x8x384xf32, #tpu.memory_space<vmem>>, vector<20x1x384xf32>
    %get3A_95 = vector.shape_cast %get3A_94 : vector<20x1x384xf32> to vector<20x384xf32>
    %dot_general3A_96 = arith.constant dense<0.000000e+00> : vector<20x384xf32>
    %dot_general3A_97 = tpu.matmul %add3A_84, %get3A_6, %dot_general3A_96 {dimension_numbers = #tpu.dot_dimension_numbers<[1], [0], [0], [1], [0, 0, 1, 1], [], []>, transpose_lhs_hint = false} : vector<20x128xf32>, vector<128x384xf32>, vector<20x384xf32> -> vector<20x384xf32>
    %add3A_98 = vector.broadcast %broadcast_in_dim3A : vector<1x384xf32> to vector<20x384xf32>
    %add3A_99 = arith.addf %dot_general3A_97, %add3A_98 : vector<20x384xf32>
    %slice3A_100 = vector.extract_strided_slice %get3A_95 {offsets = [0, 0], sizes = [20, 128], strides = [1, 1]} : vector<20x384xf32> to vector<20x128xf32>
    %slice3A_101 = vector.extract_strided_slice %add3A_99 {offsets = [0, 0], sizes = [20, 128], strides = [1, 1]} : vector<20x384xf32> to vector<20x128xf32>
    %add3A_102 = arith.addf %slice3A_100, %slice3A_101 : vector<20x128xf32>
    %logistic3A_103 = arith.negf %add3A_102 : vector<20x128xf32>
    %logistic3A_104 = math.exp %logistic3A_103 : vector<20x128xf32>
    %logistic3A_105 = arith.constant 1.000000e+00 : f32
    %logistic3A_106 = vector.broadcast %logistic3A_105 : f32 to vector<20x128xf32>
    %logistic3A_107 = arith.addf %logistic3A_106, %logistic3A_104 : vector<20x128xf32>
    %logistic3A_108 = arith.divf %logistic3A_106, %logistic3A_107 : vector<20x128xf32>
    %slice3A_109 = vector.extract_strided_slice %get3A_95 {offsets = [0, 128], sizes = [20, 128], strides = [1, 1]} : vector<20x384xf32> to vector<20x128xf32>
    %slice3A_110 = vector.extract_strided_slice %add3A_99 {offsets = [0, 128], sizes = [20, 128], strides = [1, 1]} : vector<20x384xf32> to vector<20x128xf32>
    %add3A_111 = arith.addf %slice3A_109, %slice3A_110 : vector<20x128xf32>
    %logistic3A_112 = arith.negf %add3A_111 : vector<20x128xf32>
    %logistic3A_113 = math.exp %logistic3A_112 : vector<20x128xf32>
    %logistic3A_114 = arith.constant 1.000000e+00 : f32
    %logistic3A_115 = vector.broadcast %logistic3A_114 : f32 to vector<20x128xf32>
    %logistic3A_116 = arith.addf %logistic3A_115, %logistic3A_113 : vector<20x128xf32>
    %logistic3A_117 = arith.divf %logistic3A_115, %logistic3A_116 : vector<20x128xf32>
    %slice3A_118 = vector.extract_strided_slice %get3A_95 {offsets = [0, 256], sizes = [20, 128], strides = [1, 1]} : vector<20x384xf32> to vector<20x128xf32>
    %slice3A_119 = vector.extract_strided_slice %add3A_99 {offsets = [0, 256], sizes = [20, 128], strides = [1, 1]} : vector<20x384xf32> to vector<20x128xf32>
    %mul3A_120 = arith.mulf %logistic3A_108, %slice3A_119 : vector<20x128xf32>
    %add3A_121 = arith.addf %slice3A_118, %mul3A_120 : vector<20x128xf32>
    %tanh3A_122 = math.tanh %add3A_121 : vector<20x128xf32>
    %sub3A_123 = arith.constant 1.000000e+00 : f32
    %sub3A_124 = vector.broadcast %sub3A_123 : f32 to vector<20x128xf32>
    %sub3A_125 = arith.subf %sub3A_124, %logistic3A_117 : vector<20x128xf32>
    %mul3A_126 = arith.mulf %sub3A_125, %tanh3A_122 : vector<20x128xf32>
    %mul3A_127 = arith.mulf %logistic3A_117, %add3A_84 : vector<20x128xf32>
    %add3A_128 = arith.addf %mul3A_126, %mul3A_127 : vector<20x128xf32>
    %swap3A_129 = arith.constant 0 : index
    %swap3A_130 = arith.constant 2 : index
    %swap3A_131 = arith.constant 0 : index
    %swap3A_132 = vector.load %arg4[%swap3A_129, %swap3A_130, %swap3A_131] : memref<20x8x128xf32, #tpu.memory_space<vmem>>, vector<20x1x128xf32>
    %swap3A_133 = vector.shape_cast %swap3A_132 : vector<20x1x128xf32> to vector<20x128xf32>
    %swap3A_134 = vector.shape_cast %add3A_128 : vector<20x128xf32> to vector<20x1x128xf32>
    tpu.vector_store %arg4[%swap3A_129, %swap3A_130, %swap3A_131], %swap3A_134 {strides = array<i32>} : memref<20x8x128xf32, #tpu.memory_space<vmem>>, vector<20x1x128xf32>,
    %get3A_135 = arith.constant 0 : index
    %get3A_136 = arith.constant 3 : index
    %get3A_137 = arith.constant 0 : index
    %get3A_138 = vector.load %arg1[%get3A_135, %get3A_136, %get3A_137] : memref<20x8x384xf32, #tpu.memory_space<vmem>>, vector<20x1x384xf32>
    %get3A_139 = vector.shape_cast %get3A_138 : vector<20x1x384xf32> to vector<20x384xf32>
    %dot_general3A_140 = arith.constant dense<0.000000e+00> : vector<20x384xf32>
    %dot_general3A_141 = tpu.matmul %add3A_128, %get3A_6, %dot_general3A_140 {dimension_numbers = #tpu.dot_dimension_numbers<[1], [0], [0], [1], [0, 0, 1, 1], [], []>, transpose_lhs_hint = false} : vector<20x128xf32>, vector<128x384xf32>, vector<20x384xf32> -> vector<20x384xf32>
    %add3A_142 = vector.broadcast %broadcast_in_dim3A : vector<1x384xf32> to vector<20x384xf32>
    %add3A_143 = arith.addf %dot_general3A_141, %add3A_142 : vector<20x384xf32>
    %slice3A_144 = vector.extract_strided_slice %get3A_139 {offsets = [0, 0], sizes = [20, 128], strides = [1, 1]} : vector<20x384xf32> to vector<20x128xf32>
    %slice3A_145 = vector.extract_strided_slice %add3A_143 {offsets = [0, 0], sizes = [20, 128], strides = [1, 1]} : vector<20x384xf32> to vector<20x128xf32>
    %add3A_146 = arith.addf %slice3A_144, %slice3A_145 : vector<20x128xf32>
    %logistic3A_147 = arith.negf %add3A_146 : vector<20x128xf32>
    %logistic3A_148 = math.exp %logistic3A_147 : vector<20x128xf32>
    %logistic3A_149 = arith.constant 1.000000e+00 : f32
    %logistic3A_150 = vector.broadcast %logistic3A_149 : f32 to vector<20x128xf32>
    %logistic3A_151 = arith.addf %logistic3A_150, %logistic3A_148 : vector<20x128xf32>
    %logistic3A_152 = arith.divf %logistic3A_150, %logistic3A_151 : vector<20x128xf32>
    %slice3A_153 = vector.extract_strided_slice %get3A_139 {offsets = [0, 128], sizes = [20, 128], strides = [1, 1]} : vector<20x384xf32> to vector<20x128xf32>
    %slice3A_154 = vector.extract_strided_slice %add3A_143 {offsets = [0, 128], sizes = [20, 128], strides = [1, 1]} : vector<20x384xf32> to vector<20x128xf32>
    %add3A_155 = arith.addf %slice3A_153, %slice3A_154 : vector<20x128xf32>
    %logistic3A_156 = arith.negf %add3A_155 : vector<20x128xf32>
    %logistic3A_157 = math.exp %logistic3A_156 : vector<20x128xf32>
    %logistic3A_158 = arith.constant 1.000000e+00 : f32
    %logistic3A_159 = vector.broadcast %logistic3A_158 : f32 to vector<20x128xf32>
    %logistic3A_160 = arith.addf %logistic3A_159, %logistic3A_157 : vector<20x128xf32>
    %logistic3A_161 = arith.divf %logistic3A_159, %logistic3A_160 : vector<20x128xf32>
    %slice3A_162 = vector.extract_strided_slice %get3A_139 {offsets = [0, 256], sizes = [20, 128], strides = [1, 1]} : vector<20x384xf32> to vector<20x128xf32>
    %slice3A_163 = vector.extract_strided_slice %add3A_143 {offsets = [0, 256], sizes = [20, 128], strides = [1, 1]} : vector<20x384xf32> to vector<20x128xf32>
    %mul3A_164 = arith.mulf %logistic3A_152, %slice3A_163 : vector<20x128xf32>
    %add3A_165 = arith.addf %slice3A_162, %mul3A_164 : vector<20x128xf32>
    %tanh3A_166 = math.tanh %add3A_165 : vector<20x128xf32>
    %sub3A_167 = arith.constant 1.000000e+00 : f32
    %sub3A_168 = vector.broadcast %sub3A_167 : f32 to vector<20x128xf32>
    %sub3A_169 = arith.subf %sub3A_168, %logistic3A_161 : vector<20x128xf32>
    %mul3A_170 = arith.mulf %sub3A_169, %tanh3A_166 : vector<20x128xf32>
    %mul3A_171 = arith.mulf %logistic3A_161, %add3A_128 : vector<20x128xf32>
    %add3A_172 = arith.addf %mul3A_170, %mul3A_171 : vector<20x128xf32>
    %swap3A_173 = arith.constant 0 : index
    %swap3A_174 = arith.constant 3 : index
    %swap3A_175 = arith.constant 0 : index
    %swap3A_176 = vector.load %arg4[%swap3A_173, %swap3A_174, %swap3A_175] : memref<20x8x128xf32, #tpu.memory_space<vmem>>, vector<20x1x128xf32>
    %swap3A_177 = vector.shape_cast %swap3A_176 : vector<20x1x128xf32> to vector<20x128xf32>
    %swap3A_178 = vector.shape_cast %add3A_172 : vector<20x128xf32> to vector<20x1x128xf32>
    tpu.vector_store %arg4[%swap3A_173, %swap3A_174, %swap3A_175], %swap3A_178 {strides = array<i32>} : memref<20x8x128xf32, #tpu.memory_space<vmem>>, vector<20x1x128xf32>,
    %get3A_179 = arith.constant 0 : index
    %get3A_180 = arith.constant 4 : index
    %get3A_181 = arith.constant 0 : index
    %get3A_182 = vector.load %arg1[%get3A_179, %get3A_180, %get3A_181] : memref<20x8x384xf32, #tpu.memory_space<vmem>>, vector<20x1x384xf32>
    %get3A_183 = vector.shape_cast %get3A_182 : vector<20x1x384xf32> to vector<20x384xf32>
    %dot_general3A_184 = arith.constant dense<0.000000e+00> : vector<20x384xf32>
    %dot_general3A_185 = tpu.matmul %add3A_172, %get3A_6, %dot_general3A_184 {dimension_numbers = #tpu.dot_dimension_numbers<[1], [0], [0], [1], [0, 0, 1, 1], [], []>, transpose_lhs_hint = false} : vector<20x128xf32>, vector<128x384xf32>, vector<20x384xf32> -> vector<20x384xf32>
    %add3A_186 = vector.broadcast %broadcast_in_dim3A : vector<1x384xf32> to vector<20x384xf32>
    %add3A_187 = arith.addf %dot_general3A_185, %add3A_186 : vector<20x384xf32>
    %slice3A_188 = vector.extract_strided_slice %get3A_183 {offsets = [0, 0], sizes = [20, 128], strides = [1, 1]} : vector<20x384xf32> to vector<20x128xf32>
    %slice3A_189 = vector.extract_strided_slice %add3A_187 {offsets = [0, 0], sizes = [20, 128], strides = [1, 1]} : vector<20x384xf32> to vector<20x128xf32>
    %add3A_190 = arith.addf %slice3A_188, %slice3A_189 : vector<20x128xf32>
    %logistic3A_191 = arith.negf %add3A_190 : vector<20x128xf32>
    %logistic3A_192 = math.exp %logistic3A_191 : vector<20x128xf32>
    %logistic3A_193 = arith.constant 1.000000e+00 : f32
    %logistic3A_194 = vector.broadcast %logistic3A_193 : f32 to vector<20x128xf32>
    %logistic3A_195 = arith.addf %logistic3A_194, %logistic3A_192 : vector<20x128xf32>
    %logistic3A_196 = arith.divf %logistic3A_194, %logistic3A_195 : vector<20x128xf32>
    %slice3A_197 = vector.extract_strided_slice %get3A_183 {offsets = [0, 128], sizes = [20, 128], strides = [1, 1]} : vector<20x384xf32> to vector<20x128xf32>
    %slice3A_198 = vector.extract_strided_slice %add3A_187 {offsets = [0, 128], sizes = [20, 128], strides = [1, 1]} : vector<20x384xf32> to vector<20x128xf32>
    %add3A_199 = arith.addf %slice3A_197, %slice3A_198 : vector<20x128xf32>
    %logistic3A_200 = arith.negf %add3A_199 : vector<20x128xf32>
    %logistic3A_201 = math.exp %logistic3A_200 : vector<20x128xf32>
    %logistic3A_202 = arith.constant 1.000000e+00 : f32
    %logistic3A_203 = vector.broadcast %logistic3A_202 : f32 to vector<20x128xf32>
    %logistic3A_204 = arith.addf %logistic3A_203, %logistic3A_201 : vector<20x128xf32>
    %logistic3A_205 = arith.divf %logistic3A_203, %logistic3A_204 : vector<20x128xf32>
    %slice3A_206 = vector.extract_strided_slice %get3A_183 {offsets = [0, 256], sizes = [20, 128], strides = [1, 1]} : vector<20x384xf32> to vector<20x128xf32>
    %slice3A_207 = vector.extract_strided_slice %add3A_187 {offsets = [0, 256], sizes = [20, 128], strides = [1, 1]} : vector<20x384xf32> to vector<20x128xf32>
    %mul3A_208 = arith.mulf %logistic3A_196, %slice3A_207 : vector<20x128xf32>
    %add3A_209 = arith.addf %slice3A_206, %mul3A_208 : vector<20x128xf32>
    %tanh3A_210 = math.tanh %add3A_209 : vector<20x128xf32>
    %sub3A_211 = arith.constant 1.000000e+00 : f32
    %sub3A_212 = vector.broadcast %sub3A_211 : f32 to vector<20x128xf32>
    %sub3A_213 = arith.subf %sub3A_212, %logistic3A_205 : vector<20x128xf32>
    %mul3A_214 = arith.mulf %sub3A_213, %tanh3A_210 : vector<20x128xf32>
    %mul3A_215 = arith.mulf %logistic3A_205, %add3A_172 : vector<20x128xf32>
    %add3A_216 = arith.addf %mul3A_214, %mul3A_215 : vector<20x128xf32>
    %swap3A_217 = arith.constant 0 : index
    %swap3A_218 = arith.constant 4 : index
    %swap3A_219 = arith.constant 0 : index
    %swap3A_220 = vector.load %arg4[%swap3A_217, %swap3A_218, %swap3A_219] : memref<20x8x128xf32, #tpu.memory_space<vmem>>, vector<20x1x128xf32>
    %swap3A_221 = vector.shape_cast %swap3A_220 : vector<20x1x128xf32> to vector<20x128xf32>
    %swap3A_222 = vector.shape_cast %add3A_216 : vector<20x128xf32> to vector<20x1x128xf32>
    tpu.vector_store %arg4[%swap3A_217, %swap3A_218, %swap3A_219], %swap3A_222 {strides = array<i32>} : memref<20x8x128xf32, #tpu.memory_space<vmem>>, vector<20x1x128xf32>,
    %get3A_223 = arith.constant 0 : index
    %get3A_224 = arith.constant 5 : index
    %get3A_225 = arith.constant 0 : index
    %get3A_226 = vector.load %arg1[%get3A_223, %get3A_224, %get3A_225] : memref<20x8x384xf32, #tpu.memory_space<vmem>>, vector<20x1x384xf32>
    %get3A_227 = vector.shape_cast %get3A_226 : vector<20x1x384xf32> to vector<20x384xf32>
    %dot_general3A_228 = arith.constant dense<0.000000e+00> : vector<20x384xf32>
    %dot_general3A_229 = tpu.matmul %add3A_216, %get3A_6, %dot_general3A_228 {dimension_numbers = #tpu.dot_dimension_numbers<[1], [0], [0], [1], [0, 0, 1, 1], [], []>, transpose_lhs_hint = false} : vector<20x128xf32>, vector<128x384xf32>, vector<20x384xf32> -> vector<20x384xf32>
    %add3A_230 = vector.broadcast %broadcast_in_dim3A : vector<1x384xf32> to vector<20x384xf32>
    %add3A_231 = arith.addf %dot_general3A_229, %add3A_230 : vector<20x384xf32>
    %slice3A_232 = vector.extract_strided_slice %get3A_227 {offsets = [0, 0], sizes = [20, 128], strides = [1, 1]} : vector<20x384xf32> to vector<20x128xf32>
    %slice3A_233 = vector.extract_strided_slice %add3A_231 {offsets = [0, 0], sizes = [20, 128], strides = [1, 1]} : vector<20x384xf32> to vector<20x128xf32>
    %add3A_234 = arith.addf %slice3A_232, %slice3A_233 : vector<20x128xf32>
    %logistic3A_235 = arith.negf %add3A_234 : vector<20x128xf32>
    %logistic3A_236 = math.exp %logistic3A_235 : vector<20x128xf32>
    %logistic3A_237 = arith.constant 1.000000e+00 : f32
    %logistic3A_238 = vector.broadcast %logistic3A_237 : f32 to vector<20x128xf32>
    %logistic3A_239 = arith.addf %logistic3A_238, %logistic3A_236 : vector<20x128xf32>
    %logistic3A_240 = arith.divf %logistic3A_238, %logistic3A_239 : vector<20x128xf32>
    %slice3A_241 = vector.extract_strided_slice %get3A_227 {offsets = [0, 128], sizes = [20, 128], strides = [1, 1]} : vector<20x384xf32> to vector<20x128xf32>
    %slice3A_242 = vector.extract_strided_slice %add3A_231 {offsets = [0, 128], sizes = [20, 128], strides = [1, 1]} : vector<20x384xf32> to vector<20x128xf32>
    %add3A_243 = arith.addf %slice3A_241, %slice3A_242 : vector<20x128xf32>
    %logistic3A_244 = arith.negf %add3A_243 : vector<20x128xf32>
    %logistic3A_245 = math.exp %logistic3A_244 : vector<20x128xf32>
    %logistic3A_246 = arith.constant 1.000000e+00 : f32
    %logistic3A_247 = vector.broadcast %logistic3A_246 : f32 to vector<20x128xf32>
    %logistic3A_248 = arith.addf %logistic3A_247, %logistic3A_245 : vector<20x128xf32>
    %logistic3A_249 = arith.divf %logistic3A_247, %logistic3A_248 : vector<20x128xf32>
    %slice3A_250 = vector.extract_strided_slice %get3A_227 {offsets = [0, 256], sizes = [20, 128], strides = [1, 1]} : vector<20x384xf32> to vector<20x128xf32>
    %slice3A_251 = vector.extract_strided_slice %add3A_231 {offsets = [0, 256], sizes = [20, 128], strides = [1, 1]} : vector<20x384xf32> to vector<20x128xf32>
    %mul3A_252 = arith.mulf %logistic3A_240, %slice3A_251 : vector<20x128xf32>
    %add3A_253 = arith.addf %slice3A_250, %mul3A_252 : vector<20x128xf32>
    %tanh3A_254 = math.tanh %add3A_253 : vector<20x128xf32>
    %sub3A_255 = arith.constant 1.000000e+00 : f32
    %sub3A_256 = vector.broadcast %sub3A_255 : f32 to vector<20x128xf32>
    %sub3A_257 = arith.subf %sub3A_256, %logistic3A_249 : vector<20x128xf32>
    %mul3A_258 = arith.mulf %sub3A_257, %tanh3A_254 : vector<20x128xf32>
    %mul3A_259 = arith.mulf %logistic3A_249, %add3A_216 : vector<20x128xf32>
    %add3A_260 = arith.addf %mul3A_258, %mul3A_259 : vector<20x128xf32>
    %swap3A_261 = arith.constant 0 : index
    %swap3A_262 = arith.constant 5 : index
    %swap3A_263 = arith.constant 0 : index
    %swap3A_264 = vector.load %arg4[%swap3A_261, %swap3A_262, %swap3A_263] : memref<20x8x128xf32, #tpu.memory_space<vmem>>, vector<20x1x128xf32>
    %swap3A_265 = vector.shape_cast %swap3A_264 : vector<20x1x128xf32> to vector<20x128xf32>
    %swap3A_266 = vector.shape_cast %add3A_260 : vector<20x128xf32> to vector<20x1x128xf32>
    tpu.vector_store %arg4[%swap3A_261, %swap3A_262, %swap3A_263], %swap3A_266 {strides = array<i32>} : memref<20x8x128xf32, #tpu.memory_space<vmem>>, vector<20x1x128xf32>,
    %get3A_267 = arith.constant 0 : index
    %get3A_268 = arith.constant 6 : index
    %get3A_269 = arith.constant 0 : index
    %get3A_270 = vector.load %arg1[%get3A_267, %get3A_268, %get3A_269] : memref<20x8x384xf32, #tpu.memory_space<vmem>>, vector<20x1x384xf32>
    %get3A_271 = vector.shape_cast %get3A_270 : vector<20x1x384xf32> to vector<20x384xf32>
    %dot_general3A_272 = arith.constant dense<0.000000e+00> : vector<20x384xf32>
    %dot_general3A_273 = tpu.matmul %add3A_260, %get3A_6, %dot_general3A_272 {dimension_numbers = #tpu.dot_dimension_numbers<[1], [0], [0], [1], [0, 0, 1, 1], [], []>, transpose_lhs_hint = false} : vector<20x128xf32>, vector<128x384xf32>, vector<20x384xf32> -> vector<20x384xf32>
    %add3A_274 = vector.broadcast %broadcast_in_dim3A : vector<1x384xf32> to vector<20x384xf32>
    %add3A_275 = arith.addf %dot_general3A_273, %add3A_274 : vector<20x384xf32>
    %slice3A_276 = vector.extract_strided_slice %get3A_271 {offsets = [0, 0], sizes = [20, 128], strides = [1, 1]} : vector<20x384xf32> to vector<20x128xf32>
    %slice3A_277 = vector.extract_strided_slice %add3A_275 {offsets = [0, 0], sizes = [20, 128], strides = [1, 1]} : vector<20x384xf32> to vector<20x128xf32>
    %add3A_278 = arith.addf %slice3A_276, %slice3A_277 : vector<20x128xf32>
    %logistic3A_279 = arith.negf %add3A_278 : vector<20x128xf32>
    %logistic3A_280 = math.exp %logistic3A_279 : vector<20x128xf32>
    %logistic3A_281 = arith.constant 1.000000e+00 : f32
    %logistic3A_282 = vector.broadcast %logistic3A_281 : f32 to vector<20x128xf32>
    %logistic3A_283 = arith.addf %logistic3A_282, %logistic3A_280 : vector<20x128xf32>
    %logistic3A_284 = arith.divf %logistic3A_282, %logistic3A_283 : vector<20x128xf32>
    %slice3A_285 = vector.extract_strided_slice %get3A_271 {offsets = [0, 128], sizes = [20, 128], strides = [1, 1]} : vector<20x384xf32> to vector<20x128xf32>
    %slice3A_286 = vector.extract_strided_slice %add3A_275 {offsets = [0, 128], sizes = [20, 128], strides = [1, 1]} : vector<20x384xf32> to vector<20x128xf32>
    %add3A_287 = arith.addf %slice3A_285, %slice3A_286 : vector<20x128xf32>
    %logistic3A_288 = arith.negf %add3A_287 : vector<20x128xf32>
    %logistic3A_289 = math.exp %logistic3A_288 : vector<20x128xf32>
    %logistic3A_290 = arith.constant 1.000000e+00 : f32
    %logistic3A_291 = vector.broadcast %logistic3A_290 : f32 to vector<20x128xf32>
    %logistic3A_292 = arith.addf %logistic3A_291, %logistic3A_289 : vector<20x128xf32>
    %logistic3A_293 = arith.divf %logistic3A_291, %logistic3A_292 : vector<20x128xf32>
    %slice3A_294 = vector.extract_strided_slice %get3A_271 {offsets = [0, 256], sizes = [20, 128], strides = [1, 1]} : vector<20x384xf32> to vector<20x128xf32>
    %slice3A_295 = vector.extract_strided_slice %add3A_275 {offsets = [0, 256], sizes = [20, 128], strides = [1, 1]} : vector<20x384xf32> to vector<20x128xf32>
    %mul3A_296 = arith.mulf %logistic3A_284, %slice3A_295 : vector<20x128xf32>
    %add3A_297 = arith.addf %slice3A_294, %mul3A_296 : vector<20x128xf32>
    %tanh3A_298 = math.tanh %add3A_297 : vector<20x128xf32>
    %sub3A_299 = arith.constant 1.000000e+00 : f32
    %sub3A_300 = vector.broadcast %sub3A_299 : f32 to vector<20x128xf32>
    %sub3A_301 = arith.subf %sub3A_300, %logistic3A_293 : vector<20x128xf32>
    %mul3A_302 = arith.mulf %sub3A_301, %tanh3A_298 : vector<20x128xf32>
    %mul3A_303 = arith.mulf %logistic3A_293, %add3A_260 : vector<20x128xf32>
    %add3A_304 = arith.addf %mul3A_302, %mul3A_303 : vector<20x128xf32>
    %swap3A_305 = arith.constant 0 : index
    %swap3A_306 = arith.constant 6 : index
    %swap3A_307 = arith.constant 0 : index
    %swap3A_308 = vector.load %arg4[%swap3A_305, %swap3A_306, %swap3A_307] : memref<20x8x128xf32, #tpu.memory_space<vmem>>, vector<20x1x128xf32>
    %swap3A_309 = vector.shape_cast %swap3A_308 : vector<20x1x128xf32> to vector<20x128xf32>
    %swap3A_310 = vector.shape_cast %add3A_304 : vector<20x128xf32> to vector<20x1x128xf32>
    tpu.vector_store %arg4[%swap3A_305, %swap3A_306, %swap3A_307], %swap3A_310 {strides = array<i32>} : memref<20x8x128xf32, #tpu.memory_space<vmem>>, vector<20x1x128xf32>,
    %get3A_311 = arith.constant 0 : index
    %get3A_312 = arith.constant 7 : index
    %get3A_313 = arith.constant 0 : index
    %get3A_314 = vector.load %arg1[%get3A_311, %get3A_312, %get3A_313] : memref<20x8x384xf32, #tpu.memory_space<vmem>>, vector<20x1x384xf32>
    %get3A_315 = vector.shape_cast %get3A_314 : vector<20x1x384xf32> to vector<20x384xf32>
    %dot_general3A_316 = arith.constant dense<0.000000e+00> : vector<20x384xf32>
    %dot_general3A_317 = tpu.matmul %add3A_304, %get3A_6, %dot_general3A_316 {dimension_numbers = #tpu.dot_dimension_numbers<[1], [0], [0], [1], [0, 0, 1, 1], [], []>, transpose_lhs_hint = false} : vector<20x128xf32>, vector<128x384xf32>, vector<20x384xf32> -> vector<20x384xf32>
    %add3A_318 = vector.broadcast %broadcast_in_dim3A : vector<1x384xf32> to vector<20x384xf32>
    %add3A_319 = arith.addf %dot_general3A_317, %add3A_318 : vector<20x384xf32>
    %slice3A_320 = vector.extract_strided_slice %get3A_315 {offsets = [0, 0], sizes = [20, 128], strides = [1, 1]} : vector<20x384xf32> to vector<20x128xf32>
    %slice3A_321 = vector.extract_strided_slice %add3A_319 {offsets = [0, 0], sizes = [20, 128], strides = [1, 1]} : vector<20x384xf32> to vector<20x128xf32>
    %add3A_322 = arith.addf %slice3A_320, %slice3A_321 : vector<20x128xf32>
    %logistic3A_323 = arith.negf %add3A_322 : vector<20x128xf32>
    %logistic3A_324 = math.exp %logistic3A_323 : vector<20x128xf32>
    %logistic3A_325 = arith.constant 1.000000e+00 : f32
    %logistic3A_326 = vector.broadcast %logistic3A_325 : f32 to vector<20x128xf32>
    %logistic3A_327 = arith.addf %logistic3A_326, %logistic3A_324 : vector<20x128xf32>
    %logistic3A_328 = arith.divf %logistic3A_326, %logistic3A_327 : vector<20x128xf32>
    %slice3A_329 = vector.extract_strided_slice %get3A_315 {offsets = [0, 128], sizes = [20, 128], strides = [1, 1]} : vector<20x384xf32> to vector<20x128xf32>
    %slice3A_330 = vector.extract_strided_slice %add3A_319 {offsets = [0, 128], sizes = [20, 128], strides = [1, 1]} : vector<20x384xf32> to vector<20x128xf32>
    %add3A_331 = arith.addf %slice3A_329, %slice3A_330 : vector<20x128xf32>
    %logistic3A_332 = arith.negf %add3A_331 : vector<20x128xf32>
    %logistic3A_333 = math.exp %logistic3A_332 : vector<20x128xf32>
    %logistic3A_334 = arith.constant 1.000000e+00 : f32
    %logistic3A_335 = vector.broadcast %logistic3A_334 : f32 to vector<20x128xf32>
    %logistic3A_336 = arith.addf %logistic3A_335, %logistic3A_333 : vector<20x128xf32>
    %logistic3A_337 = arith.divf %logistic3A_335, %logistic3A_336 : vector<20x128xf32>
    %slice3A_338 = vector.extract_strided_slice %get3A_315 {offsets = [0, 256], sizes = [20, 128], strides = [1, 1]} : vector<20x384xf32> to vector<20x128xf32>
    %slice3A_339 = vector.extract_strided_slice %add3A_319 {offsets = [0, 256], sizes = [20, 128], strides = [1, 1]} : vector<20x384xf32> to vector<20x128xf32>
    %mul3A_340 = arith.mulf %logistic3A_328, %slice3A_339 : vector<20x128xf32>
    %add3A_341 = arith.addf %slice3A_338, %mul3A_340 : vector<20x128xf32>
    %tanh3A_342 = math.tanh %add3A_341 : vector<20x128xf32>
    %sub3A_343 = arith.constant 1.000000e+00 : f32
    %sub3A_344 = vector.broadcast %sub3A_343 : f32 to vector<20x128xf32>
    %sub3A_345 = arith.subf %sub3A_344, %logistic3A_337 : vector<20x128xf32>
    %mul3A_346 = arith.mulf %sub3A_345, %tanh3A_342 : vector<20x128xf32>
    %mul3A_347 = arith.mulf %logistic3A_337, %add3A_304 : vector<20x128xf32>
    %add3A_348 = arith.addf %mul3A_346, %mul3A_347 : vector<20x128xf32>
    %swap3A_349 = arith.constant 0 : index
    %swap3A_350 = arith.constant 7 : index
    %swap3A_351 = arith.constant 0 : index
    %swap3A_352 = vector.load %arg4[%swap3A_349, %swap3A_350, %swap3A_351] : memref<20x8x128xf32, #tpu.memory_space<vmem>>, vector<20x1x128xf32>
    %swap3A_353 = vector.shape_cast %swap3A_352 : vector<20x1x128xf32> to vector<20x128xf32>
    %swap3A_354 = vector.shape_cast %add3A_348 : vector<20x128xf32> to vector<20x1x128xf32>
    tpu.vector_store %arg4[%swap3A_349, %swap3A_350, %swap3A_351], %swap3A_354 {strides = array<i32>} : memref<20x8x128xf32, #tpu.memory_space<vmem>>, vector<20x1x128xf32>,
    %swap3A_355 = arith.constant 0 : index
    %swap3A_356 = arith.constant 0 : index
    %swap3A_357 = vector.load %arg5[%swap3A_355, %swap3A_356] : memref<20x128xf32, #tpu.memory_space<vmem>>, vector<20x128xf32>
    tpu.vector_store %arg5[%swap3A_355, %swap3A_356], %add3A_348 {strides = array<i32>} : memref<20x128xf32, #tpu.memory_space<vmem>>, vector<20x128xf32>,
    return
  }
  func.func @transform_0(%arg0: i32) -> (i32, i32, i32) {
    %c0_i32 = arith.constant 0 : i32
    %c0_i32_0 = arith.constant 0 : i32
    %c0_i32_1 = arith.constant 0 : i32
    return %c0_i32, %arg0, %c0_i32_0 : i32, i32, i32
  }
  func.func @transform_1(%arg0: i32) -> (i32, i32) {
    %c0_i32 = arith.constant 0 : i32
    %c0_i32_0 = arith.constant 0 : i32
    %c0_i32_1 = arith.constant 0 : i32
    return %c0_i32, %c0_i32_0 : i32, i32
  }
  func.func @transform_2(%arg0: i32) -> (i32, i32) {
    %c0_i32 = arith.constant 0 : i32
    %c0_i32_0 = arith.constant 0 : i32
    %c0_i32_1 = arith.constant 0 : i32
    return %c0_i32, %c0_i32_0 : i32, i32
  }
  func.func @transform_3(%arg0: i32) -> (i32, i32, i32) {
    %c0_i32 = arith.constant 0 : i32
    %c0_i32_0 = arith.constant 0 : i32
    %c0_i32_1 = arith.constant 0 : i32
    return %c0_i32, %arg0, %c0_i32_0 : i32, i32, i32
  }
}

</mosaic_0001>

<sc_bundles>
// kernel: kernel.12.cloned.1.call-start
scs
__scs_entry_jumppad:
0x0: {  	(pc) =	sbr.rel $0x88, $3  }
0x1: {  	(tag) =	ssettag $0x0;
	lr =	simm.s32 $0x1  }
0x2: {  	[smem:$0x3F97] =	sst lr;
	_ =	strace $0xD0000000  }
0x3: {  	_ = 	snop  }
0x4: {  	_ = 	snop  }
0x5: {  	_ = 	snop  }
0x6: {  	_ = 	snop  }
0x7: {  	_ = 	snop  }
__scs_overlays_trampoline_lowered:
0x8: {  	[smem:$0x3FA6] =	sst s0  }
0x9: {  	[smem:$0x3FA7] =	sst s1  }
0xa: {  	[smem:$0x3FA8] =	sst s2  }
0xb: {  	[smem:$0x3FA9] =	sst s3  }
0xc: {  	[smem:$0x3FAA] =	sst s4  }
0xd: {  	[smem:$0x3FAB] =	sst s5  }
0xe: {  	[smem:$0x3FAC] =	sst s6  }
0xf: {  	[smem:$0x3FAD] =	sst s7  }
0x10: {  	[smem:$0x3FAE] =	sst s8  }
0x11: {  	[smem:$0x3FAF] =	sst s9;
	s0 =	simm.s32 @!p0 $0x0  }
0x12: {  	s1 =	sld [smem:$0x3F95];
	s0 =	simm.s32 @p0 $0x1  }
0x13: {  	[smem:$0x3FB0] =	sst s0;
	s0 =	simm.s32 @!p1 $0x0  }
0x14: {  	s2 =	sld [smem:$0x3F94];
	s0 =	simm.s32 @p1 $0x1  }
0x15: {  	[smem:$0x3FB1] =	sst s0;
	s0 =	simm.s32 @!p2 $0x0  }
0x16: {  	s3 =	sld [smem:$0x3FDB];
	s0 =	simm.s32 @p2 $0x1  }
0x17: {  	s4 =	simm.s32 $0x1BF5;
	[smem:$0x3FB3] =	sst s0  }
0x18: {  	s0 =	sld [smem:$0x3F96];
	_ =	swait.ge [sflag:s4], $0x0  }
0x19: {  	s7 =	sld [smem:$0x3F97]  }
0x1a: {  	s8 =	sadd.s32 $0xFFFFE003, lr  }
0x1b: {  	s9 =	sadd.s32 $0xFFFFFEF7, lr;
	s5 =	simm.s32 $0xFFFFFFFF;
	p2 =	slt.u32 s8, $0xFFFFF086  }
0x1c: {  	p1 =	slt.u32 s9, $0xF7A;
	s5 =	simm.s32 @!p2 $0x0  }
0x1d: {  	s5 =	simm.s32 @p1 $0x1;
	p0 =	seq.s32 s7, s2  }
0x1e: {  	s7 =	smul.u32 @!p0 $0xF7A, s2;
	p2 =	seq.s32 @!p0 s5, $0x0  }
0x1f: {  	s9 =	smul.u32 $0xF7A, s1;
	s8 =	simm.s32 @!p0 $0x1BF5;
	p2 =	por !p2, p0  }
0x20: {  	[sflag:s8] =	ssyncset.s32 @!p0 $0xFFFFF086;
	s6 =	sadd.s32 @!p0 s3, s7;
	s7 =	simm.s32 @!p0 $0x108  }
0x21: {  	s3 =	sadd.s32 s3, s9;
	s6 =	sadd.s32 @!p0 $0x88, s6;
	s7 =	simm.s32 @p2 $0x1082  }
0x22: {  	[simem:s7], [sflag:s8] =	dma.local @!p0 [hbm:s6], $0xF7A  }
0x23: {  	s9 =	sor.u32 $0xD0000000, s2;
	s6 =	simm.s32 $0x108;
	_ =	swait.ge @!p0 [sflag:s8], $0x0  }
0x24: {  	s3 =	sadd.s32 $0x88, s3;
	s6 =	simm.s32 @!p1 $0x1082;
	[sflag:s4] =	ssyncset.s32 $0xFFFFF086  }
0x25: {  	[simem:s6], [sflag:s4] =	dma.local [hbm:s3], $0xF7A  }
0x26: {  	[smem:$0x3F97] =	sst s1;
	(tag) =	ssettag s2;
	_ =	strace s9  }
0x27: {  	s1 =	sld [smem:$0x3FA7]  }
0x28: {  	s2 =	sld [smem:$0x3FA8]  }
0x29: {  	s4 =	sld [smem:$0x3FAA]  }
0x2a: {  	p0 =	seq.s32 s5, $0x0;
	s5 =	sld [smem:$0x3FAB]  }
0x2b: {  	s6 =	sld [smem:$0x3FAC]  }
0x2c: {  	s7 =	sld [smem:$0x3FAD]  }
0x2d: {  	s3 =	simm.s32 $0x108;
	s8 =	sld [smem:$0x3FAE]  }
0x2e: {  	s3 =	simm.s32 @!p0 $0x1082;
	s9 =	sld [smem:$0x3FAF]  }
0x2f: {  	lr =	sadd.s32 s0, s3;
	s0 =	sld [smem:$0x3FA6]  }
0x30: {  	s3 =	sld [smem:$0x3FA9]  }
0x31: {  	[smem:$0x3FB2] =	sst s10  }
0x32: {  	s10 =	sld [smem:$0x3FB0];
	_ =	sdelay $0x3  }
0x33: {  	p0 =	seq.s32 s10, $0x1;
	s10 =	sld [smem:$0x3FB2];
	_ =	sdelay $0x3  }
0x34: {  	[smem:$0x3FB2] =	sst s10  }
0x35: {  	s10 =	sld [smem:$0x3FB1];
	_ =	sdelay $0x3  }
0x36: {  	p1 =	seq.s32 s10, $0x1;
	s10 =	sld [smem:$0x3FB2];
	_ =	sdelay $0x3  }
0x37: {  	[smem:$0x3FB2] =	sst s10  }
0x38: {  	s10 =	sld [smem:$0x3FB3]  }
0x39: {  	_ = 	snop;
	(pc) =	sbr.ind lr, $3  }
0x3a: {  	_ = 	snop  }
0x3b: {  	_ = 	snop  }
0x3c: {  	p2 =	seq.s32 s10, $0x1;
	s10 =	sld [smem:$0x3FB2]  }
0x3d: {  	_ =	shalt  }
0x3e: {  	_ =	shalt  }
0x3f: {  	_ =	shalt  }
0x40: {  	_ =	shalt  }
0x41: {  	_ =	shalt  }
0x42: {  	_ =	shalt  }
0x43: {  	_ =	shalt  }
0x44: {  	_ =	shalt  }
0x45: {  	_ =	shalt  }
0x46: {  	_ =	shalt  }
0x47: {  	_ =	shalt  }
0x48: {  	_ =	shalt  }
0x49: {  	_ =	shalt  }
0x4a: {  	_ =	shalt  }
0x4b: {  	_ =	shalt  }
0x4c: {  	_ =	shalt  }
0x4d: {  	_ =	shalt  }
0x4e: {  	_ =	shalt  }
0x4f: {  	_ =	shalt  }
0x50: {  	_ =	shalt  }
0x51: {  	_ =	shalt  }
0x52: {  	_ =	shalt  }
0x53: {  	_ =	shalt  }
0x54: {  	_ =	shalt  }
0x55: {  	_ =	shalt  }
0x56: {  	_ =	shalt  }
0x57: {  	_ =	shalt  }
0x58: {  	_ =	shalt  }
0x59: {  	_ =	shalt  }
0x5a: {  	_ =	shalt  }
0x5b: {  	_ =	shalt  }
0x5c: {  	_ =	shalt  }
0x5d: {  	_ =	shalt  }
0x5e: {  	_ =	shalt  }
0x5f: {  	_ =	shalt  }
0x60: {  	_ =	shalt  }
0x61: {  	_ =	shalt  }
0x62: {  	_ =	shalt  }
0x63: {  	_ =	shalt  }
0x64: {  	_ =	shalt  }
0x65: {  	_ =	shalt  }
0x66: {  	_ =	shalt  }
0x67: {  	_ =	shalt  }
0x68: {  	_ =	shalt  }
0x69: {  	_ =	shalt  }
0x6a: {  	_ =	shalt  }
0x6b: {  	_ =	shalt  }
0x6c: {  	_ =	shalt  }
0x6d: {  	_ =	shalt  }
0x6e: {  	_ =	shalt  }
0x6f: {  	_ =	shalt  }
0x70: {  	_ =	shalt  }
0x71: {  	_ =	shalt  }
0x72: {  	_ =	shalt  }
0x73: {  	_ =	shalt  }
0x74: {  	_ =	shalt  }
0x75: {  	_ =	shalt  }
0x76: {  	_ =	shalt  }
0x77: {  	_ =	shalt  }
0x78: {  	_ =	shalt  }
0x79: {  	_ =	shalt  }
0x7a: {  	_ =	shalt  }
0x7b: {  	_ =	shalt  }
0x7c: {  	_ =	shalt  }
0x7d: {  	_ =	shalt  }
0x7e: {  	_ =	shalt  }
0x7f: {  	_ =	shalt  }
0x80: {  	_ =	shalt  }
0x81: {  	_ =	shalt  }
0x82: {  	_ =	shalt  }
0x83: {  	_ =	shalt  }
0x84: {  	_ =	shalt  }
0x85: {  	_ =	shalt  }
0x86: {  	_ =	shalt  }
0x87: {  	_ =	shalt  }
.Lfunc_end0:
.L_simem_size_0:
called_computation.1_lowered:
.L_overlay_start_0:
0x88: {  	s2 =	sld [smem:$0x3FD9]  }
0x89: {  	s3 =	sld [smem:$0x3FFE];
	_ =	sdelay $0x1  }
0x8a: {  	s1 =	srdreg.scid  }
0x8b: {  	s0 =	sand.u32 $0x1, s1  }
0x8c: {  	s17 =	sshll.u32 s0, $0xA;
	s2 =	sadd.s32 s3, s2  }
0x8d: {  	s2 =	sadd.s32 s2, s17  }
0x8e: {  	[smem:$0x3FBE] =	sst s2  }
0x8f: {  	_ = 	snop  }
0x90: {  	s2 =	sld [smem:$0x3FD0];
	(tm) =	ssettm $0x1  }
0x91: {  	s18 =	sld [smem:$0x3FFB];
	_ =	sdelay $0x3  }
0x92: {  	_ =	strace s18  }
0x93: {  	s3 =	sld [smem:$0x3FFC];
	_ =	sdelay $0x3  }
0x94: {  	_ =	strace s3  }
0x95: {  	s3 =	sld [smem:$0x3FFD];
	_ =	sdelay $0x3  }
0x96: {  	_ =	strace s3  }
0x97: {  	_ =	strace $0x8FFFFFFF  }
0x98: {  	s19 =	sld [smem:$0x3FDB];
	_ =	sdelay $0x1  }
0x99: {  	s4 =	simm.s32 $_scs_section_size  }
0x9a: {  	s5 =	simm.s32 $_size__tile_overlayer_lowered;
	s6 =	simm.s32 $_tile_overlayer_lowered  }
0x9b: {  	s22 =	simm.s32 $0x1BFF;
	s21 =	sshll.u32 s6, $0x1;
	s3 =	sadd.s32 s4, s19  }
0x9c: {  	s7 =	simm.s32 $0x0;
	s20 =	sshll.u32 s5, $0x1;
	s5 =	sadd.s32 s21, s3  }
0x9d: {  	[timem:s7], [sflag:s22] =	dma.local [hbm:s5], s20  }
0x9e: {  	_ =	swait.ge [sflag:s22], s20  }
0x9f: {  	s4 =	ssub.s32 $0x0, s20;
	[sflag:s22] =	ssyncset.done $0x0  }
0xa0: {  	[sflag:s22] =	ssyncadd.s32 s4;
	_ =	sdelay $0x1  }
0xa1: {  	s23 =	simm.s32 $0x1B8B  }
0xa2: {  	_ =	swait.ge [sflag:s23], $0x1  }
0xa3: {  	[sflag:s23] =	ssyncset.done $0x0  }
0xa4: {  	s25 =	simm.s32 $0x1B8E;
	s24 =	sld [smem:$0x3FFE];
	[sflag:s23] =	ssyncadd.s32 $0xFFFFFFFF  }
0xa5: {  	s26 =	simm.s32 $execute0_lowered;
	[smem:$0x3FD2] =	sst s25  }
0xa6: {  	s5 =	sshll.u32 s26, $0x1;
	_ =	strace $0x80000049;
	[dreg:$0x1] =	wrdreg $0xFFFFFFFF  }
0xa7: {  	s28 =	simm.s32 $_size_execute0_lowered;
	s3 =	sadd.s32 s3, s5;
	[dreg:$0x0] =	wrdreg $0x0  }
0xa8: {  	s5 =	sshll.u32 s28, $0x1;
	[dreg:$0x2] =	wrdreg s3  }
0xa9: {  	[dreg:$0x3] =	wrdreg s5  }
0xaa: {  	[dreg:$0x4] =	wrdreg $0xC0  }
0xab: {  	_ =	task [dreg:s7], $0x5FFFF  }
0xac: {  	[dreg:$0x1] =	wrdreg $0xFFFFFFFF  }
0xad: {  	[dreg:$0x0] =	wrdreg $0x60  }
0xae: {  	[dreg:$0x2] =	wrdreg s24  }
0xaf: {  	[dreg:$0x3] =	wrdreg s2  }
0xb0: {  	[dreg:$0x4] =	wrdreg $0x90000  }
0xb1: {  	[dreg:$0x5] =	wrdreg $0x9  }
0xb2: {  	_ =	task.clear_ibuf [dreg:s7], $0x6FFFF;
	_ =	strace $0x90000049  }
0xb3: {  	s29 =	simm.s32 $0x9;
	_ =	strace $0x8000004B  }
0xb4: {  	_ =	swait.ge [sflag:s29], $0x1  }
0xb5: {  	[sflag:s29] =	ssyncadd.s32 $0xFFFFFFFF  }
0xb6: {  	_ =	strace $0x9000004B  }
0xb7: {  	_ =	sfence  }
0xb8: {  	s30 =	sld [smem:$0x0];
	_ =	sdelay $0x2  }
0xb9: {  	s31 =	sshll.u32 s1, $0xD;
	s1 =	sshrl.u32 s1, $0x2  }
0xba: {  	s3 =	sand.u32 $0x4000, s31;
	s1 =	sadd.s32 s1, s30  }
0xbb: {  	s0 =	sor.u32 s3, s0;
	s1 =	sshll.u32 s1, $0x11  }
0xbc: {  	s0 =	sor.u32 s1, s0  }
0xbd: {  	s0 =	sadd.s32 $0x8F2B, s0  }
0xbe: {  	[sflag:s0] =	ssyncadd.remote.s32 $0x1  }
0xbf: {  	_ =	sfence.sel $0xFFFF  }
0xc0: {  	[dreg:$0x0] =	wrdreg $0xFFFFFFFF;
	(pc) =	sbr.abs _section_cstart, $3  }
0xc1: {  	[dreg:$0x1] =	wrdreg $0xFFFFFFFF  }
0xc2: {  	_ =	task.clear_ibuf [dreg:s7], $0x2FFFF;
	_ =	strace $0x9FFFFFFF  }
0xc3: {  	(tm) =	ssettm $0x7FFFFFFF  }
tec
execute0_lowered:
.L_overlay_start_1:
0x0: {  	(tag) =	ssettag $0x1  }
0x1: {  	s5 =	rddreg [dreg:$0x0]  }
0x2: {  	s0 =	srdreg.scid;
	s7 =	rddreg [dreg:$0x1]  }
0x3: {  	s2 =	rddreg [dreg:$0x2];
	s3 =	simm.s32 $0x0;
	s15 =	simm.s32 $0x2800  }
0x4: {  	s16 =	simm.s32 $0x5000;
	s6 =	sand.u32 $0x1, s0;
	s0 =	stileid.u32  }
0x5: {  	s17 =	simm.s32 $0x80;
	s18 =	simm.s32 $0x1;
	s9 =	smul.u32 $0x2800, s0  }
0x6: {  	s21 =	simm.s32 $0x0;
	[smem:$0x7FF] =	sst s3;
	s10 =	smul.u32 $0x28000, s6  }
0x7: {  	s1 =	sshll.u32 s6, $0x4;
	s6 =	ssub.s32 $0x2, s6;
	s11 =	smul.u32 $0x50000, s0  }
0x8: {  	s19 =	sshll.u32 s0, $0x6;
	s4 =	sor.u32 s0, s1;
	s1 =	rddreg [dreg:$0x3]  }
0x9: {  	_ =	strace $0x8000004A;
	s30 =	sshrl.u32 s6, $0x1;
	s19 =	sor.u32 $0x1C02, s19  }
0xa: {  	s8 =	smul.u32 $0x500, s4;
	s4 =	sadd.s32 $0x5BA00, s5;
	s9 =	sadd.s32 s9, s10  }
0xb: {  	s14 =	ssub.s32 s6, s30;
	s31 =	sshrl.u32 s11, $0x2;
	s13 =	sadd.s32 s9, s5  }
0xc: {  	s12 =	sadd.s32 s8, s5;
	s6 =	sadd.s32 s7, s8;
	s7 =	sadd.s32 s31, s2  }
0xd: {  	s5 =	sadd.s32 $0x51A00, s12;
	s8 =	sadd.s32 $0x4000, s7;
	s9 =	sadd.s32 $0x8000, s7  }
0xe: {  	s10 =	sadd.s32 $0xC000, s7;
	s11 =	sadd.s32 $0x10000, s7;
	s12 =	sadd.s32 $0x83A00, s13  }
0xf: {  	v0 =	vimm.f32 $0.0e+00;
	s13 =	smax.u32 s14, $0x1;
	s14 =	simm.s32 $0x2;
	s20 =	sshrl.u32 s7, $0x3  }
.LBB2_1:
0x10: {  	[tilespmem:s3], [sflag:$0x2] =	stream.linear.gather [hbm4b:s5+s3], $0x2780, $0x38;
	[tilespmem:$0x1D000] =	vst v63  }
0x11: {  	_ =	swait.ge [sflag:s14], $0x2780  }
0x12: {  	[sflag:s14] =	ssyncset.done $0x0  }
0x13: {  	[sflag:s14] =	ssyncadd.s32 $0xFFFFD880  }
0x14: {  	[tilespmem:s15], [sflag:$0x2] =	stream.linear.gather [hbm4b:s6+s3], $0x2780, $0x38;
	[tilespmem:$0x1D000] =	vst v63  }
0x15: {  	_ =	swait.ge [sflag:s14], $0x2780  }
0x16: {  	[sflag:s14] =	ssyncset.done $0x0  }
0x17: {  	s22 =	simm.s32 $0x0;
	s23 =	simm.s32 $0x200;
	[sflag:s14] =	ssyncadd.s32 $0xFFFFD880  }
.LBB2_2:
0x18: {  	p0 =	sne.s32 s23, $0xFE00;
	[tilespmem:s22+$0x5070] =	vst v0  }
0x19: {  	[tilespmem:s22+$0x5000] =	vst v0  }
0x1a: {  	[tilespmem:s22+$0x5010] =	vst v0  }
.Ltmp0:
0x1b: {  	[tilespmem:s22+$0x5020] =	vst v0;
	(pc) =	sbr.rel @p0 .LBB2_2-.Ltmp0, $4  }
0x1c: {  	[tilespmem:s22+$0x5030] =	vst v0  }
0x1d: {  	[tilespmem:s22+$0x5040] =	vst v0  }
0x1e: {  	[tilespmem:s22+$0x5050] =	vst v0  }
0x1f: {  	[tilespmem:s22+$0x5060] =	vst v0;
	s22 =	sshra.s32 s23, $0x2;
	s23 =	sadd.s32 $0x200, s23  }
0x20: {  	[tilespmem:s22+$0x5070] =	vst v0  }
0x21: {  	[tilespmem:s22+$0x5000] =	vst v0  }
0x22: {  	[tilespmem:s22+$0x5010] =	vst v0  }
0x23: {  	[tilespmem:s22+$0x5020] =	vst v0  }
0x24: {  	[tilespmem:s22+$0x5030] =	vst v0  }
0x25: {  	[tilespmem:s22+$0x5040] =	vst v0  }
0x26: {  	[tilespmem:s22+$0x5050] =	vst v0  }
0x27: {  	[tilespmem:s22+$0x5060] =	vst v0  }
0x28: {  	[spmem:s7] =	stream.linear.scatter [tilespmem:s16], [sflag:$0x2], $0x4000, $0x38;
	[tilespmem:$0x1D000] =	vst v63  }
0x29: {  	_ =	swait.ge [sflag:s14], $0x4000  }
0x2a: {  	[sflag:s14] =	ssyncset.done $0x0  }
0x2b: {  	[sflag:s14] =	ssyncadd.s32 $0xFFFFC000  }
0x2c: {  	[spmem:s8] =	stream.linear.scatter [tilespmem:s16], [sflag:$0x2], $0x4000, $0x38;
	[tilespmem:$0x1D000] =	vst v63  }
0x2d: {  	_ =	swait.ge [sflag:s14], $0x4000  }
0x2e: {  	[sflag:s14] =	ssyncset.done $0x0  }
0x2f: {  	[sflag:s14] =	ssyncadd.s32 $0xFFFFC000  }
0x30: {  	[spmem:s9] =	stream.linear.scatter [tilespmem:s16], [sflag:$0x2], $0x4000, $0x38;
	[tilespmem:$0x1D000] =	vst v63  }
0x31: {  	_ =	swait.ge [sflag:s14], $0x4000  }
0x32: {  	[sflag:s14] =	ssyncset.done $0x0  }
0x33: {  	[sflag:s14] =	ssyncadd.s32 $0xFFFFC000  }
0x34: {  	[spmem:s10] =	stream.linear.scatter [tilespmem:s16], [sflag:$0x2], $0x4000, $0x38;
	[tilespmem:$0x1D000] =	vst v63  }
0x35: {  	_ =	swait.ge [sflag:s14], $0x4000  }
0x36: {  	[sflag:s14] =	ssyncset.done $0x0  }
0x37: {  	[sflag:s14] =	ssyncadd.s32 $0xFFFFC000  }
0x38: {  	[spmem:s11] =	stream.linear.scatter [tilespmem:s16], [sflag:$0x2], $0x4000, $0x38;
	[tilespmem:$0x1D000] =	vst v63  }
0x39: {  	_ =	swait.ge [sflag:s14], $0x4000  }
0x3a: {  	[sflag:s14] =	ssyncset.done $0x0  }
0x3b: {  	[sflag:s14] =	ssyncadd.s32 $0xFFFFC000  }
0x3c: {  	s30 =	simm.s32 $0x0;
	[bflag:$0x0] =	sbarrier.arrive $0xFFFF  }
0x3d: {  	[tilespmem:s16], [sflag:$0x1] =	stream.indirect.gather [hbm4b:s4+s17], $0x80, s30, s17, $0xb8;
	[tilespmem:$0x1D000] =	vst v63  }
0x3e: {  	_ =	swait.ge [sflag:s18], $0x4000  }
0x3f: {  	[sflag:s18] =	ssyncset.done $0x0  }
0x40: {  	s31 =	simm.s32 $0x2800;
	[sflag:s18] =	ssyncadd.s32 $0xFFFFC000  }
0x41: {  	[spmem:s2] =	stream.indirect.scatter.add.f32 [tilespmem:s16], [sflag:$0x2], $0x80, s31, s17, $0xb8;
	[tilespmem:$0x1D000] =	vst v63  }
0x42: {  	_ =	swait.ge [sflag:s14], $0x4000  }
0x43: {  	s22 =	simm.s32 $0x200;
	s23 =	simm.s32 $0x400;
	[sflag:s14] =	ssyncset.done $0x0  }
.LBB2_4:
0x44: {  	s24 =	sshra.s32 s22, $0x2  }
0x45: {  	[sflag:s14] =	ssyncadd.s32 $0xFFFFC000;
	s22 =	smov.u32 s23;
	s25 =	sadd.s32 $0x200, s23  }
0x46: {  	[tilespmem:s16], [sflag:$0x1] =	stream.indirect.gather [hbm4b:s4+s17], $0x80, s24, s17, $0xb8;
	[tilespmem:$0x1D000] =	vst v63  }
0x47: {  	p0 =	sne.s32 s23, $0x9C00;
	_ =	swait.ge [sflag:s18], $0x4000  }
.Ltmp1:
0x48: {  	[sflag:s18] =	ssyncset.done $0x0;
	(pc) =	sbr.rel @p0 .LBB2_4-.Ltmp1, $4  }
0x49: {  	s23 =	sadd.s32 $0x2800, s24;
	[sflag:s18] =	ssyncadd.s32 $0xFFFFC000  }
0x4a: {  	[spmem:s2] =	stream.indirect.scatter.add.f32 [tilespmem:s16], [sflag:$0x2], $0x80, s23, s17, $0xb8;
	[tilespmem:$0x1D000] =	vst v63  }
0x4b: {  	_ =	swait.ge [sflag:s14], $0x4000  }
0x4c: {  	s23 =	smov.u32 s25;
	[sflag:s14] =	ssyncset.done $0x0  }
0x4d: {  	s22 =	sshra.s32 s22, $0x2;
	[sflag:s14] =	ssyncadd.s32 $0xFFFFC000  }
0x4e: {  	[tilespmem:s16], [sflag:$0x1] =	stream.indirect.gather [hbm4b:s4+s17], $0x80, s22, s17, $0xb8;
	[tilespmem:$0x1D000] =	vst v63  }
0x4f: {  	_ =	swait.ge [sflag:s18], $0x4000  }
0x50: {  	[sflag:s18] =	ssyncset.done $0x0  }
0x51: {  	s22 =	sadd.s32 $0x2800, s22;
	[sflag:s18] =	ssyncadd.s32 $0xFFFFC000  }
0x52: {  	[spmem:s2] =	stream.indirect.scatter.add.f32 [tilespmem:s16], [sflag:$0x2], $0x80, s22, s17, $0xb8;
	[tilespmem:$0x1D000] =	vst v63  }
0x53: {  	_ =	swait.ge [sflag:s14], $0x4000  }
0x54: {  	s21 =	sadd.s32 $0x1, s21;
	[sflag:s14] =	ssyncset.done $0x0  }
0x55: {  	p0 =	sne.s32 s21, s13;
	[sflag:s14] =	ssyncadd.s32 $0xFFFFC000  }
.Ltmp2:
0x56: {  	[bflag:$0x0] =	sbarrier.arrive $0xFFFF;
	(pc) =	sbr.rel @p0 .LBB2_1-.Ltmp2, $4  }
0x57: {  	[hbm:s12], [sflag:s19] =	dma.local [spmem:s20], $0x2800  }
0x58: {  	_ =	swait.ge [sflag:s14], $0x2800  }
0x59: {  	[sflag:s14] =	ssyncset.done $0x0  }
0x5a: {  	[sflag:s14] =	ssyncadd.s32 $0xFFFFD800  }
0x5b: {  	_ =	sfence.sel $0x180000  }
0x5c: {  	[bflag:$0x0] =	sbarrier.arrive $0xFFFF  }
0x5d: {  	p0 =	sne.s32 s0, $0x0;
	_ =	strace $0x9000004A  }
0x5e: {  	s0 =	sadd.s32 @!p0 $0x100000, s1;
	[bflag:$0x2] =	sbarrier.arrive $0xFFFF  }
0x5f: {  	[sflag:s0] =	ssyncadd.tile.s32 @!p0 $0x1;
	_ =	shalt  }
.Lfunc_end2:
_tile_overlayer_lowered:
.L_overlay_start_2:
0x60: {  	(tag) =	ssettag $0x2  }
0x61: {  	s0 =	rddreg [dreg:$0x0];
	s2 =	stileid.u32  }
0x62: {  	s1 =	rddreg [dreg:$0x1];
	p0 =	sne.s32 s2, $0x0  }
0x63: {  	s3 =	rddreg [dreg:$0x2];
	[bflag:$0x3] =	sbarrier.arrive $0xFFFF;
	s2 =	simm.s32 @!p0 $0x1C02  }
0x64: {  	[timem:s3], [sflag:s2] =	dma.local @!p0 [hbm:s0], s1  }
0x65: {  	s0 =	simm.s32 @!p0 $0x2  }
0x66: {  	_ =	swait.ge @!p0 [sflag:s0], s1  }
0x67: {  	s1 =	ssub.s32 @!p0 $0x0, s1;
	[sflag:s0] =	ssyncset.done @!p0 $0x0  }
0x68: {  	[sflag:s0] =	ssyncadd.s32 @!p0 s1  }
0x69: {  	[bflag:$0x3] =	sbarrier.arrive $0xFFFF  }
0x6a: {  	_ =	shalt  }

// kernel: kernel.15.cloned.1.call-start
scs
__scs_entry_jumppad:
0x0: {  	(pc) =	sbr.rel $0x88, $3  }
0x1: {  	(tag) =	ssettag $0x0;
	lr =	simm.s32 $0x1  }
0x2: {  	[smem:$0x3F97] =	sst lr;
	_ =	strace $0xD0000000  }
0x3: {  	_ = 	snop  }
0x4: {  	_ = 	snop  }
0x5: {  	_ = 	snop  }
0x6: {  	_ = 	snop  }
0x7: {  	_ = 	snop  }
__scs_overlays_trampoline_lowered:
0x8: {  	[smem:$0x3FA6] =	sst s0  }
0x9: {  	[smem:$0x3FA7] =	sst s1  }
0xa: {  	[smem:$0x3FA8] =	sst s2  }
0xb: {  	[smem:$0x3FA9] =	sst s3  }
0xc: {  	[smem:$0x3FAA] =	sst s4  }
0xd: {  	[smem:$0x3FAB] =	sst s5  }
0xe: {  	[smem:$0x3FAC] =	sst s6  }
0xf: {  	[smem:$0x3FAD] =	sst s7  }
0x10: {  	[smem:$0x3FAE] =	sst s8  }
0x11: {  	[smem:$0x3FAF] =	sst s9;
	s0 =	simm.s32 @!p0 $0x0  }
0x12: {  	s1 =	sld [smem:$0x3F95];
	s0 =	simm.s32 @p0 $0x1  }
0x13: {  	[smem:$0x3FB0] =	sst s0;
	s0 =	simm.s32 @!p1 $0x0  }
0x14: {  	s2 =	sld [smem:$0x3F94];
	s0 =	simm.s32 @p1 $0x1  }
0x15: {  	[smem:$0x3FB1] =	sst s0;
	s0 =	simm.s32 @!p2 $0x0  }
0x16: {  	s3 =	sld [smem:$0x3FDB];
	s0 =	simm.s32 @p2 $0x1  }
0x17: {  	s4 =	simm.s32 $0x1BF5;
	[smem:$0x3FB3] =	sst s0  }
0x18: {  	s0 =	sld [smem:$0x3F96];
	_ =	swait.ge [sflag:s4], $0x0  }
0x19: {  	s7 =	sld [smem:$0x3F97]  }
0x1a: {  	s8 =	sadd.s32 $0xFFFFE003, lr  }
0x1b: {  	s9 =	sadd.s32 $0xFFFFFEF7, lr;
	s5 =	simm.s32 $0xFFFFFFFF;
	p2 =	slt.u32 s8, $0xFFFFF086  }
0x1c: {  	p1 =	slt.u32 s9, $0xF7A;
	s5 =	simm.s32 @!p2 $0x0  }
0x1d: {  	s5 =	simm.s32 @p1 $0x1;
	p0 =	seq.s32 s7, s2  }
0x1e: {  	s7 =	smul.u32 @!p0 $0xF7A, s2;
	p2 =	seq.s32 @!p0 s5, $0x0  }
0x1f: {  	s9 =	smul.u32 $0xF7A, s1;
	s8 =	simm.s32 @!p0 $0x1BF5;
	p2 =	por !p2, p0  }
0x20: {  	[sflag:s8] =	ssyncset.s32 @!p0 $0xFFFFF086;
	s6 =	sadd.s32 @!p0 s3, s7;
	s7 =	simm.s32 @!p0 $0x108  }
0x21: {  	s3 =	sadd.s32 s3, s9;
	s6 =	sadd.s32 @!p0 $0x88, s6;
	s7 =	simm.s32 @p2 $0x1082  }
0x22: {  	[simem:s7], [sflag:s8] =	dma.local @!p0 [hbm:s6], $0xF7A  }
0x23: {  	s9 =	sor.u32 $0xD0000000, s2;
	s6 =	simm.s32 $0x108;
	_ =	swait.ge @!p0 [sflag:s8], $0x0  }
0x24: {  	s3 =	sadd.s32 $0x88, s3;
	s6 =	simm.s32 @!p1 $0x1082;
	[sflag:s4] =	ssyncset.s32 $0xFFFFF086  }
0x25: {  	[simem:s6], [sflag:s4] =	dma.local [hbm:s3], $0xF7A  }
0x26: {  	[smem:$0x3F97] =	sst s1;
	(tag) =	ssettag s2;
	_ =	strace s9  }
0x27: {  	s1 =	sld [smem:$0x3FA7]  }
0x28: {  	s2 =	sld [smem:$0x3FA8]  }
0x29: {  	s4 =	sld [smem:$0x3FAA]  }
0x2a: {  	p0 =	seq.s32 s5, $0x0;
	s5 =	sld [smem:$0x3FAB]  }
0x2b: {  	s6 =	sld [smem:$0x3FAC]  }
0x2c: {  	s7 =	sld [smem:$0x3FAD]  }
0x2d: {  	s3 =	simm.s32 $0x108;
	s8 =	sld [smem:$0x3FAE]  }
0x2e: {  	s3 =	simm.s32 @!p0 $0x1082;
	s9 =	sld [smem:$0x3FAF]  }
0x2f: {  	lr =	sadd.s32 s0, s3;
	s0 =	sld [smem:$0x3FA6]  }
0x30: {  	s3 =	sld [smem:$0x3FA9]  }
0x31: {  	[smem:$0x3FB2] =	sst s10  }
0x32: {  	s10 =	sld [smem:$0x3FB0];
	_ =	sdelay $0x3  }
0x33: {  	p0 =	seq.s32 s10, $0x1;
	s10 =	sld [smem:$0x3FB2];
	_ =	sdelay $0x3  }
0x34: {  	[smem:$0x3FB2] =	sst s10  }
0x35: {  	s10 =	sld [smem:$0x3FB1];
	_ =	sdelay $0x3  }
0x36: {  	p1 =	seq.s32 s10, $0x1;
	s10 =	sld [smem:$0x3FB2];
	_ =	sdelay $0x3  }
0x37: {  	[smem:$0x3FB2] =	sst s10  }
0x38: {  	s10 =	sld [smem:$0x3FB3]  }
0x39: {  	_ = 	snop;
	(pc) =	sbr.ind lr, $3  }
0x3a: {  	_ = 	snop  }
0x3b: {  	_ = 	snop  }
0x3c: {  	p2 =	seq.s32 s10, $0x1;
	s10 =	sld [smem:$0x3FB2]  }
0x3d: {  	_ =	shalt  }
0x3e: {  	_ =	shalt  }
0x3f: {  	_ =	shalt  }
0x40: {  	_ =	shalt  }
0x41: {  	_ =	shalt  }
0x42: {  	_ =	shalt  }
0x43: {  	_ =	shalt  }
0x44: {  	_ =	shalt  }
0x45: {  	_ =	shalt  }
0x46: {  	_ =	shalt  }
0x47: {  	_ =	shalt  }
0x48: {  	_ =	shalt  }
0x49: {  	_ =	shalt  }
0x4a: {  	_ =	shalt  }
0x4b: {  	_ =	shalt  }
0x4c: {  	_ =	shalt  }
0x4d: {  	_ =	shalt  }
0x4e: {  	_ =	shalt  }
0x4f: {  	_ =	shalt  }
0x50: {  	_ =	shalt  }
0x51: {  	_ =	shalt  }
0x52: {  	_ =	shalt  }
0x53: {  	_ =	shalt  }
0x54: {  	_ =	shalt  }
0x55: {  	_ =	shalt  }
0x56: {  	_ =	shalt  }
0x57: {  	_ =	shalt  }
0x58: {  	_ =	shalt  }
0x59: {  	_ =	shalt  }
0x5a: {  	_ =	shalt  }
0x5b: {  	_ =	shalt  }
0x5c: {  	_ =	shalt  }
0x5d: {  	_ =	shalt  }
0x5e: {  	_ =	shalt  }
0x5f: {  	_ =	shalt  }
0x60: {  	_ =	shalt  }
0x61: {  	_ =	shalt  }
0x62: {  	_ =	shalt  }
0x63: {  	_ =	shalt  }
0x64: {  	_ =	shalt  }
0x65: {  	_ =	shalt  }
0x66: {  	_ =	shalt  }
0x67: {  	_ =	shalt  }
0x68: {  	_ =	shalt  }
0x69: {  	_ =	shalt  }
0x6a: {  	_ =	shalt  }
0x6b: {  	_ =	shalt  }
0x6c: {  	_ =	shalt  }
0x6d: {  	_ =	shalt  }
0x6e: {  	_ =	shalt  }
0x6f: {  	_ =	shalt  }
0x70: {  	_ =	shalt  }
0x71: {  	_ =	shalt  }
0x72: {  	_ =	shalt  }
0x73: {  	_ =	shalt  }
0x74: {  	_ =	shalt  }
0x75: {  	_ =	shalt  }
0x76: {  	_ =	shalt  }
0x77: {  	_ =	shalt  }
0x78: {  	_ =	shalt  }
0x79: {  	_ =	shalt  }
0x7a: {  	_ =	shalt  }
0x7b: {  	_ =	shalt  }
0x7c: {  	_ =	shalt  }
0x7d: {  	_ =	shalt  }
0x7e: {  	_ =	shalt  }
0x7f: {  	_ =	shalt  }
0x80: {  	_ =	shalt  }
0x81: {  	_ =	shalt  }
0x82: {  	_ =	shalt  }
0x83: {  	_ =	shalt  }
0x84: {  	_ =	shalt  }
0x85: {  	_ =	shalt  }
0x86: {  	_ =	shalt  }
0x87: {  	_ =	shalt  }
.Lfunc_end0:
.L_simem_size_0:
called_computation.2_lowered:
.L_overlay_start_0:
0x88: {  	s2 =	sld [smem:$0x3FD9]  }
0x89: {  	s3 =	sld [smem:$0x3FFE];
	_ =	sdelay $0x1  }
0x8a: {  	s1 =	srdreg.scid  }
0x8b: {  	s0 =	sand.u32 $0x1, s1  }
0x8c: {  	s17 =	sshll.u32 s0, $0xA;
	s2 =	sadd.s32 s3, s2  }
0x8d: {  	s2 =	sadd.s32 s2, s17  }
0x8e: {  	[smem:$0x3FBE] =	sst s2  }
0x8f: {  	_ = 	snop  }
0x90: {  	s2 =	sld [smem:$0x3FD0];
	(tm) =	ssettm $0x1  }
0x91: {  	s18 =	sld [smem:$0x3FFB];
	_ =	sdelay $0x3  }
0x92: {  	_ =	strace s18  }
0x93: {  	s3 =	sld [smem:$0x3FFC];
	_ =	sdelay $0x3  }
0x94: {  	_ =	strace s3  }
0x95: {  	s3 =	sld [smem:$0x3FFD];
	_ =	sdelay $0x3  }
0x96: {  	_ =	strace s3  }
0x97: {  	_ =	strace $0x8FFFFFFF  }
0x98: {  	s19 =	sld [smem:$0x3FDB];
	_ =	sdelay $0x1  }
0x99: {  	s4 =	simm.s32 $_scs_section_size  }
0x9a: {  	s5 =	simm.s32 $_size__tile_overlayer_lowered;
	s6 =	simm.s32 $_tile_overlayer_lowered  }
0x9b: {  	s22 =	simm.s32 $0x1BFF;
	s21 =	sshll.u32 s6, $0x1;
	s3 =	sadd.s32 s4, s19  }
0x9c: {  	s7 =	simm.s32 $0x0;
	s20 =	sshll.u32 s5, $0x1;
	s5 =	sadd.s32 s21, s3  }
0x9d: {  	[timem:s7], [sflag:s22] =	dma.local [hbm:s5], s20  }
0x9e: {  	_ =	swait.ge [sflag:s22], s20  }
0x9f: {  	s4 =	ssub.s32 $0x0, s20;
	[sflag:s22] =	ssyncset.done $0x0  }
0xa0: {  	[sflag:s22] =	ssyncadd.s32 s4;
	_ =	sdelay $0x1  }
0xa1: {  	s23 =	simm.s32 $0x1B8B  }
0xa2: {  	_ =	swait.ge [sflag:s23], $0x1  }
0xa3: {  	[sflag:s23] =	ssyncset.done $0x0  }
0xa4: {  	s25 =	simm.s32 $0x1B8E;
	s24 =	sld [smem:$0x3FFE];
	[sflag:s23] =	ssyncadd.s32 $0xFFFFFFFF  }
0xa5: {  	s26 =	simm.s32 $execute0_lowered;
	[smem:$0x3FD2] =	sst s25  }
0xa6: {  	s5 =	sshll.u32 s26, $0x1;
	_ =	strace $0x8000004C;
	[dreg:$0x1] =	wrdreg $0xFFFFFFFF  }
0xa7: {  	s28 =	simm.s32 $_size_execute0_lowered;
	s3 =	sadd.s32 s3, s5;
	[dreg:$0x0] =	wrdreg $0x0  }
0xa8: {  	s5 =	sshll.u32 s28, $0x1;
	[dreg:$0x2] =	wrdreg s3  }
0xa9: {  	[dreg:$0x3] =	wrdreg s5  }
0xaa: {  	[dreg:$0x4] =	wrdreg $0xC0  }
0xab: {  	_ =	task [dreg:s7], $0x5FFFF  }
0xac: {  	[dreg:$0x1] =	wrdreg $0xFFFFFFFF  }
0xad: {  	[dreg:$0x0] =	wrdreg $0x60  }
0xae: {  	[dreg:$0x2] =	wrdreg s24  }
0xaf: {  	[dreg:$0x3] =	wrdreg s2  }
0xb0: {  	[dreg:$0x4] =	wrdreg $0x90000  }
0xb1: {  	[dreg:$0x5] =	wrdreg $0x9  }
0xb2: {  	_ =	task.clear_ibuf [dreg:s7], $0x6FFFF;
	_ =	strace $0x9000004C  }
0xb3: {  	s29 =	simm.s32 $0x9;
	_ =	strace $0x8000004E  }
0xb4: {  	_ =	swait.ge [sflag:s29], $0x1  }
0xb5: {  	[sflag:s29] =	ssyncadd.s32 $0xFFFFFFFF  }
0xb6: {  	_ =	strace $0x9000004E  }
0xb7: {  	_ =	sfence  }
0xb8: {  	s30 =	sld [smem:$0x0];
	_ =	sdelay $0x2  }
0xb9: {  	s31 =	sshll.u32 s1, $0xD;
	s1 =	sshrl.u32 s1, $0x2  }
0xba: {  	s3 =	sand.u32 $0x4000, s31;
	s1 =	sadd.s32 s1, s30  }
0xbb: {  	s0 =	sor.u32 s3, s0;
	s1 =	sshll.u32 s1, $0x11  }
0xbc: {  	s0 =	sor.u32 s1, s0  }
0xbd: {  	s0 =	sadd.s32 $0x8F2B, s0  }
0xbe: {  	[sflag:s0] =	ssyncadd.remote.s32 $0x1  }
0xbf: {  	_ =	sfence.sel $0xFFFF  }
0xc0: {  	[dreg:$0x0] =	wrdreg $0xFFFFFFFF;
	(pc) =	sbr.abs _section_cstart, $3  }
0xc1: {  	[dreg:$0x1] =	wrdreg $0xFFFFFFFF  }
0xc2: {  	_ =	task.clear_ibuf [dreg:s7], $0x2FFFF;
	_ =	strace $0x9FFFFFFF  }
0xc3: {  	(tm) =	ssettm $0x7FFFFFFF  }
tec
execute0_lowered:
.L_overlay_start_1:
0x0: {  	(tag) =	ssettag $0x1  }
0x1: {  	s5 =	rddreg [dreg:$0x0]  }
0x2: {  	s0 =	srdreg.scid;
	s7 =	rddreg [dreg:$0x1]  }
0x3: {  	s2 =	rddreg [dreg:$0x2];
	s3 =	simm.s32 $0x0;
	s15 =	simm.s32 $0x2800  }
0x4: {  	s16 =	simm.s32 $0x5000;
	s6 =	sand.u32 $0x1, s0;
	s0 =	stileid.u32  }
0x5: {  	s17 =	simm.s32 $0x80;
	s18 =	simm.s32 $0x1;
	s9 =	smul.u32 $0x2800, s0  }
0x6: {  	s21 =	simm.s32 $0x0;
	[smem:$0x7FF] =	sst s3;
	s10 =	smul.u32 $0x28000, s6  }
0x7: {  	s1 =	sshll.u32 s6, $0x4;
	s6 =	ssub.s32 $0x2, s6;
	s11 =	smul.u32 $0x50000, s0  }
0x8: {  	s19 =	sshll.u32 s0, $0x6;
	s4 =	sor.u32 s0, s1;
	s1 =	rddreg [dreg:$0x3]  }
0x9: {  	_ =	strace $0x8000004D;
	s30 =	sshrl.u32 s6, $0x1;
	s19 =	sor.u32 $0x1C02, s19  }
0xa: {  	s8 =	smul.u32 $0x500, s4;
	s4 =	sadd.s32 $0x5BA00, s5;
	s9 =	sadd.s32 s9, s10  }
0xb: {  	s14 =	ssub.s32 s6, s30;
	s31 =	sshrl.u32 s11, $0x2;
	s13 =	sadd.s32 s9, s5  }
0xc: {  	s12 =	sadd.s32 s8, s5;
	s6 =	sadd.s32 s7, s8;
	s7 =	sadd.s32 s31, s2  }
0xd: {  	s5 =	sadd.s32 $0x51A00, s12;
	s8 =	sadd.s32 $0x4000, s7;
	s9 =	sadd.s32 $0x8000, s7  }
0xe: {  	s10 =	sadd.s32 $0xC000, s7;
	s11 =	sadd.s32 $0x10000, s7;
	s12 =	sadd.s32 $0x83A00, s13  }
0xf: {  	v0 =	vimm.f32 $0.0e+00;
	s13 =	smax.u32 s14, $0x1;
	s14 =	simm.s32 $0x2;
	s20 =	sshrl.u32 s7, $0x3  }
.LBB2_1:
0x10: {  	[tilespmem:s3], [sflag:$0x2] =	stream.linear.gather [hbm4b:s5+s3], $0x2780, $0x38;
	[tilespmem:$0x1D000] =	vst v63  }
0x11: {  	_ =	swait.ge [sflag:s14], $0x2780  }
0x12: {  	[sflag:s14] =	ssyncset.done $0x0  }
0x13: {  	[sflag:s14] =	ssyncadd.s32 $0xFFFFD880  }
0x14: {  	[tilespmem:s15], [sflag:$0x2] =	stream.linear.gather [hbm4b:s6+s3], $0x2780, $0x38;
	[tilespmem:$0x1D000] =	vst v63  }
0x15: {  	_ =	swait.ge [sflag:s14], $0x2780  }
0x16: {  	[sflag:s14] =	ssyncset.done $0x0  }
0x17: {  	s22 =	simm.s32 $0x0;
	s23 =	simm.s32 $0x200;
	[sflag:s14] =	ssyncadd.s32 $0xFFFFD880  }
.LBB2_2:
0x18: {  	p0 =	sne.s32 s23, $0xFE00;
	[tilespmem:s22+$0x5070] =	vst v0  }
0x19: {  	[tilespmem:s22+$0x5000] =	vst v0  }
0x1a: {  	[tilespmem:s22+$0x5010] =	vst v0  }
.Ltmp0:
0x1b: {  	[tilespmem:s22+$0x5020] =	vst v0;
	(pc) =	sbr.rel @p0 .LBB2_2-.Ltmp0, $4  }
0x1c: {  	[tilespmem:s22+$0x5030] =	vst v0  }
0x1d: {  	[tilespmem:s22+$0x5040] =	vst v0  }
0x1e: {  	[tilespmem:s22+$0x5050] =	vst v0  }
0x1f: {  	[tilespmem:s22+$0x5060] =	vst v0;
	s22 =	sshra.s32 s23, $0x2;
	s23 =	sadd.s32 $0x200, s23  }
0x20: {  	[tilespmem:s22+$0x5070] =	vst v0  }
0x21: {  	[tilespmem:s22+$0x5000] =	vst v0  }
0x22: {  	[tilespmem:s22+$0x5010] =	vst v0  }
0x23: {  	[tilespmem:s22+$0x5020] =	vst v0  }
0x24: {  	[tilespmem:s22+$0x5030] =	vst v0  }
0x25: {  	[tilespmem:s22+$0x5040] =	vst v0  }
0x26: {  	[tilespmem:s22+$0x5050] =	vst v0  }
0x27: {  	[tilespmem:s22+$0x5060] =	vst v0  }
0x28: {  	[spmem:s7] =	stream.linear.scatter [tilespmem:s16], [sflag:$0x2], $0x4000, $0x38;
	[tilespmem:$0x1D000] =	vst v63  }
0x29: {  	_ =	swait.ge [sflag:s14], $0x4000  }
0x2a: {  	[sflag:s14] =	ssyncset.done $0x0  }
0x2b: {  	[sflag:s14] =	ssyncadd.s32 $0xFFFFC000  }
0x2c: {  	[spmem:s8] =	stream.linear.scatter [tilespmem:s16], [sflag:$0x2], $0x4000, $0x38;
	[tilespmem:$0x1D000] =	vst v63  }
0x2d: {  	_ =	swait.ge [sflag:s14], $0x4000  }
0x2e: {  	[sflag:s14] =	ssyncset.done $0x0  }
0x2f: {  	[sflag:s14] =	ssyncadd.s32 $0xFFFFC000  }
0x30: {  	[spmem:s9] =	stream.linear.scatter [tilespmem:s16], [sflag:$0x2], $0x4000, $0x38;
	[tilespmem:$0x1D000] =	vst v63  }
0x31: {  	_ =	swait.ge [sflag:s14], $0x4000  }
0x32: {  	[sflag:s14] =	ssyncset.done $0x0  }
0x33: {  	[sflag:s14] =	ssyncadd.s32 $0xFFFFC000  }
0x34: {  	[spmem:s10] =	stream.linear.scatter [tilespmem:s16], [sflag:$0x2], $0x4000, $0x38;
	[tilespmem:$0x1D000] =	vst v63  }
0x35: {  	_ =	swait.ge [sflag:s14], $0x4000  }
0x36: {  	[sflag:s14] =	ssyncset.done $0x0  }
0x37: {  	[sflag:s14] =	ssyncadd.s32 $0xFFFFC000  }
0x38: {  	[spmem:s11] =	stream.linear.scatter [tilespmem:s16], [sflag:$0x2], $0x4000, $0x38;
	[tilespmem:$0x1D000] =	vst v63  }
0x39: {  	_ =	swait.ge [sflag:s14], $0x4000  }
0x3a: {  	[sflag:s14] =	ssyncset.done $0x0  }
0x3b: {  	[sflag:s14] =	ssyncadd.s32 $0xFFFFC000  }
0x3c: {  	s30 =	simm.s32 $0x0;
	[bflag:$0x0] =	sbarrier.arrive $0xFFFF  }
0x3d: {  	[tilespmem:s16], [sflag:$0x1] =	stream.indirect.gather [hbm4b:s4+s17], $0x80, s30, s17, $0xb8;
	[tilespmem:$0x1D000] =	vst v63  }
0x3e: {  	_ =	swait.ge [sflag:s18], $0x4000  }
0x3f: {  	[sflag:s18] =	ssyncset.done $0x0  }
0x40: {  	s31 =	simm.s32 $0x2800;
	[sflag:s18] =	ssyncadd.s32 $0xFFFFC000  }
0x41: {  	[spmem:s2] =	stream.indirect.scatter.add.f32 [tilespmem:s16], [sflag:$0x2], $0x80, s31, s17, $0xb8;
	[tilespmem:$0x1D000] =	vst v63  }
0x42: {  	_ =	swait.ge [sflag:s14], $0x4000  }
0x43: {  	s22 =	simm.s32 $0x200;
	s23 =	simm.s32 $0x400;
	[sflag:s14] =	ssyncset.done $0x0  }
.LBB2_4:
0x44: {  	s24 =	sshra.s32 s22, $0x2  }
0x45: {  	[sflag:s14] =	ssyncadd.s32 $0xFFFFC000;
	s22 =	smov.u32 s23;
	s25 =	sadd.s32 $0x200, s23  }
0x46: {  	[tilespmem:s16], [sflag:$0x1] =	stream.indirect.gather [hbm4b:s4+s17], $0x80, s24, s17, $0xb8;
	[tilespmem:$0x1D000] =	vst v63  }
0x47: {  	p0 =	sne.s32 s23, $0x9C00;
	_ =	swait.ge [sflag:s18], $0x4000  }
.Ltmp1:
0x48: {  	[sflag:s18] =	ssyncset.done $0x0;
	(pc) =	sbr.rel @p0 .LBB2_4-.Ltmp1, $4  }
0x49: {  	s23 =	sadd.s32 $0x2800, s24;
	[sflag:s18] =	ssyncadd.s32 $0xFFFFC000  }
0x4a: {  	[spmem:s2] =	stream.indirect.scatter.add.f32 [tilespmem:s16], [sflag:$0x2], $0x80, s23, s17, $0xb8;
	[tilespmem:$0x1D000] =	vst v63  }
0x4b: {  	_ =	swait.ge [sflag:s14], $0x4000  }
0x4c: {  	s23 =	smov.u32 s25;
	[sflag:s14] =	ssyncset.done $0x0  }
0x4d: {  	s22 =	sshra.s32 s22, $0x2;
	[sflag:s14] =	ssyncadd.s32 $0xFFFFC000  }
0x4e: {  	[tilespmem:s16], [sflag:$0x1] =	stream.indirect.gather [hbm4b:s4+s17], $0x80, s22, s17, $0xb8;
	[tilespmem:$0x1D000] =	vst v63  }
0x4f: {  	_ =	swait.ge [sflag:s18], $0x4000  }
0x50: {  	[sflag:s18] =	ssyncset.done $0x0  }
0x51: {  	s22 =	sadd.s32 $0x2800, s22;
	[sflag:s18] =	ssyncadd.s32 $0xFFFFC000  }
0x52: {  	[spmem:s2] =	stream.indirect.scatter.add.f32 [tilespmem:s16], [sflag:$0x2], $0x80, s22, s17, $0xb8;
	[tilespmem:$0x1D000] =	vst v63  }
0x53: {  	_ =	swait.ge [sflag:s14], $0x4000  }
0x54: {  	s21 =	sadd.s32 $0x1, s21;
	[sflag:s14] =	ssyncset.done $0x0  }
0x55: {  	p0 =	sne.s32 s21, s13;
	[sflag:s14] =	ssyncadd.s32 $0xFFFFC000  }
.Ltmp2:
0x56: {  	[bflag:$0x0] =	sbarrier.arrive $0xFFFF;
	(pc) =	sbr.rel @p0 .LBB2_1-.Ltmp2, $4  }
0x57: {  	[hbm:s12], [sflag:s19] =	dma.local [spmem:s20], $0x2800  }
0x58: {  	_ =	swait.ge [sflag:s14], $0x2800  }
0x59: {  	[sflag:s14] =	ssyncset.done $0x0  }
0x5a: {  	[sflag:s14] =	ssyncadd.s32 $0xFFFFD800  }
0x5b: {  	_ =	sfence.sel $0x180000  }
0x5c: {  	[bflag:$0x0] =	sbarrier.arrive $0xFFFF  }
0x5d: {  	p0 =	sne.s32 s0, $0x0;
	_ =	strace $0x9000004D  }
0x5e: {  	s0 =	sadd.s32 @!p0 $0x100000, s1;
	[bflag:$0x2] =	sbarrier.arrive $0xFFFF  }
0x5f: {  	[sflag:s0] =	ssyncadd.tile.s32 @!p0 $0x1;
	_ =	shalt  }
.Lfunc_end2:
_tile_overlayer_lowered:
.L_overlay_start_2:
0x60: {  	(tag) =	ssettag $0x2  }
0x61: {  	s0 =	rddreg [dreg:$0x0];
	s2 =	stileid.u32  }
0x62: {  	s1 =	rddreg [dreg:$0x1];
	p0 =	sne.s32 s2, $0x0  }
0x63: {  	s3 =	rddreg [dreg:$0x2];
	[bflag:$0x3] =	sbarrier.arrive $0xFFFF;
	s2 =	simm.s32 @!p0 $0x1C02  }
0x64: {  	[timem:s3], [sflag:s2] =	dma.local @!p0 [hbm:s0], s1  }
0x65: {  	s0 =	simm.s32 @!p0 $0x2  }
0x66: {  	_ =	swait.ge @!p0 [sflag:s0], s1  }
0x67: {  	s1 =	ssub.s32 @!p0 $0x0, s1;
	[sflag:s0] =	ssyncset.done @!p0 $0x0  }
0x68: {  	[sflag:s0] =	ssyncadd.s32 @!p0 s1  }
0x69: {  	[bflag:$0x3] =	sbarrier.arrive $0xFFFF  }
0x6a: {  	_ =	shalt  }

// kernel: kernel.9.cloned.1.call-start
scs
__scs_entry_jumppad:
0x0: {  	(pc) =	sbr.rel $0x88, $3  }
0x1: {  	(tag) =	ssettag $0x0;
	lr =	simm.s32 $0x1  }
0x2: {  	[smem:$0x3F97] =	sst lr;
	_ =	strace $0xD0000000  }
0x3: {  	_ = 	snop  }
0x4: {  	_ = 	snop  }
0x5: {  	_ = 	snop  }
0x6: {  	_ = 	snop  }
0x7: {  	_ = 	snop  }
__scs_overlays_trampoline_lowered:
0x8: {  	[smem:$0x3FA6] =	sst s0  }
0x9: {  	[smem:$0x3FA7] =	sst s1  }
0xa: {  	[smem:$0x3FA8] =	sst s2  }
0xb: {  	[smem:$0x3FA9] =	sst s3  }
0xc: {  	[smem:$0x3FAA] =	sst s4  }
0xd: {  	[smem:$0x3FAB] =	sst s5  }
0xe: {  	[smem:$0x3FAC] =	sst s6  }
0xf: {  	[smem:$0x3FAD] =	sst s7  }
0x10: {  	[smem:$0x3FAE] =	sst s8  }
0x11: {  	[smem:$0x3FAF] =	sst s9;
	s0 =	simm.s32 @!p0 $0x0  }
0x12: {  	s1 =	sld [smem:$0x3F95];
	s0 =	simm.s32 @p0 $0x1  }
0x13: {  	[smem:$0x3FB0] =	sst s0;
	s0 =	simm.s32 @!p1 $0x0  }
0x14: {  	s2 =	sld [smem:$0x3F94];
	s0 =	simm.s32 @p1 $0x1  }
0x15: {  	[smem:$0x3FB1] =	sst s0;
	s0 =	simm.s32 @!p2 $0x0  }
0x16: {  	s3 =	sld [smem:$0x3FDB];
	s0 =	simm.s32 @p2 $0x1  }
0x17: {  	s4 =	simm.s32 $0x1BF5;
	[smem:$0x3FB3] =	sst s0  }
0x18: {  	s0 =	sld [smem:$0x3F96];
	_ =	swait.ge [sflag:s4], $0x0  }
0x19: {  	s7 =	sld [smem:$0x3F97]  }
0x1a: {  	s8 =	sadd.s32 $0xFFFFE003, lr  }
0x1b: {  	s9 =	sadd.s32 $0xFFFFFEF7, lr;
	s5 =	simm.s32 $0xFFFFFFFF;
	p2 =	slt.u32 s8, $0xFFFFF086  }
0x1c: {  	p1 =	slt.u32 s9, $0xF7A;
	s5 =	simm.s32 @!p2 $0x0  }
0x1d: {  	s5 =	simm.s32 @p1 $0x1;
	p0 =	seq.s32 s7, s2  }
0x1e: {  	s7 =	smul.u32 @!p0 $0xF7A, s2;
	p2 =	seq.s32 @!p0 s5, $0x0  }
0x1f: {  	s9 =	smul.u32 $0xF7A, s1;
	s8 =	simm.s32 @!p0 $0x1BF5;
	p2 =	por !p2, p0  }
0x20: {  	[sflag:s8] =	ssyncset.s32 @!p0 $0xFFFFF086;
	s6 =	sadd.s32 @!p0 s3, s7;
	s7 =	simm.s32 @!p0 $0x108  }
0x21: {  	s3 =	sadd.s32 s3, s9;
	s6 =	sadd.s32 @!p0 $0x88, s6;
	s7 =	simm.s32 @p2 $0x1082  }
0x22: {  	[simem:s7], [sflag:s8] =	dma.local @!p0 [hbm:s6], $0xF7A  }
0x23: {  	s9 =	sor.u32 $0xD0000000, s2;
	s6 =	simm.s32 $0x108;
	_ =	swait.ge @!p0 [sflag:s8], $0x0  }
0x24: {  	s3 =	sadd.s32 $0x88, s3;
	s6 =	simm.s32 @!p1 $0x1082;
	[sflag:s4] =	ssyncset.s32 $0xFFFFF086  }
0x25: {  	[simem:s6], [sflag:s4] =	dma.local [hbm:s3], $0xF7A  }
0x26: {  	[smem:$0x3F97] =	sst s1;
	(tag) =	ssettag s2;
	_ =	strace s9  }
0x27: {  	s1 =	sld [smem:$0x3FA7]  }
0x28: {  	s2 =	sld [smem:$0x3FA8]  }
0x29: {  	s4 =	sld [smem:$0x3FAA]  }
0x2a: {  	p0 =	seq.s32 s5, $0x0;
	s5 =	sld [smem:$0x3FAB]  }
0x2b: {  	s6 =	sld [smem:$0x3FAC]  }
0x2c: {  	s7 =	sld [smem:$0x3FAD]  }
0x2d: {  	s3 =	simm.s32 $0x108;
	s8 =	sld [smem:$0x3FAE]  }
0x2e: {  	s3 =	simm.s32 @!p0 $0x1082;
	s9 =	sld [smem:$0x3FAF]  }
0x2f: {  	lr =	sadd.s32 s0, s3;
	s0 =	sld [smem:$0x3FA6]  }
0x30: {  	s3 =	sld [smem:$0x3FA9]  }
0x31: {  	[smem:$0x3FB2] =	sst s10  }
0x32: {  	s10 =	sld [smem:$0x3FB0];
	_ =	sdelay $0x3  }
0x33: {  	p0 =	seq.s32 s10, $0x1;
	s10 =	sld [smem:$0x3FB2];
	_ =	sdelay $0x3  }
0x34: {  	[smem:$0x3FB2] =	sst s10  }
0x35: {  	s10 =	sld [smem:$0x3FB1];
	_ =	sdelay $0x3  }
0x36: {  	p1 =	seq.s32 s10, $0x1;
	s10 =	sld [smem:$0x3FB2];
	_ =	sdelay $0x3  }
0x37: {  	[smem:$0x3FB2] =	sst s10  }
0x38: {  	s10 =	sld [smem:$0x3FB3]  }
0x39: {  	_ = 	snop;
	(pc) =	sbr.ind lr, $3  }
0x3a: {  	_ = 	snop  }
0x3b: {  	_ = 	snop  }
0x3c: {  	p2 =	seq.s32 s10, $0x1;
	s10 =	sld [smem:$0x3FB2]  }
0x3d: {  	_ =	shalt  }
0x3e: {  	_ =	shalt  }
0x3f: {  	_ =	shalt  }
0x40: {  	_ =	shalt  }
0x41: {  	_ =	shalt  }
0x42: {  	_ =	shalt  }
0x43: {  	_ =	shalt  }
0x44: {  	_ =	shalt  }
0x45: {  	_ =	shalt  }
0x46: {  	_ =	shalt  }
0x47: {  	_ =	shalt  }
0x48: {  	_ =	shalt  }
0x49: {  	_ =	shalt  }
0x4a: {  	_ =	shalt  }
0x4b: {  	_ =	shalt  }
0x4c: {  	_ =	shalt  }
0x4d: {  	_ =	shalt  }
0x4e: {  	_ =	shalt  }
0x4f: {  	_ =	shalt  }
0x50: {  	_ =	shalt  }
0x51: {  	_ =	shalt  }
0x52: {  	_ =	shalt  }
0x53: {  	_ =	shalt  }
0x54: {  	_ =	shalt  }
0x55: {  	_ =	shalt  }
0x56: {  	_ =	shalt  }
0x57: {  	_ =	shalt  }
0x58: {  	_ =	shalt  }
0x59: {  	_ =	shalt  }
0x5a: {  	_ =	shalt  }
0x5b: {  	_ =	shalt  }
0x5c: {  	_ =	shalt  }
0x5d: {  	_ =	shalt  }
0x5e: {  	_ =	shalt  }
0x5f: {  	_ =	shalt  }
0x60: {  	_ =	shalt  }
0x61: {  	_ =	shalt  }
0x62: {  	_ =	shalt  }
0x63: {  	_ =	shalt  }
0x64: {  	_ =	shalt  }
0x65: {  	_ =	shalt  }
0x66: {  	_ =	shalt  }
0x67: {  	_ =	shalt  }
0x68: {  	_ =	shalt  }
0x69: {  	_ =	shalt  }
0x6a: {  	_ =	shalt  }
0x6b: {  	_ =	shalt  }
0x6c: {  	_ =	shalt  }
0x6d: {  	_ =	shalt  }
0x6e: {  	_ =	shalt  }
0x6f: {  	_ =	shalt  }
0x70: {  	_ =	shalt  }
0x71: {  	_ =	shalt  }
0x72: {  	_ =	shalt  }
0x73: {  	_ =	shalt  }
0x74: {  	_ =	shalt  }
0x75: {  	_ =	shalt  }
0x76: {  	_ =	shalt  }
0x77: {  	_ =	shalt  }
0x78: {  	_ =	shalt  }
0x79: {  	_ =	shalt  }
0x7a: {  	_ =	shalt  }
0x7b: {  	_ =	shalt  }
0x7c: {  	_ =	shalt  }
0x7d: {  	_ =	shalt  }
0x7e: {  	_ =	shalt  }
0x7f: {  	_ =	shalt  }
0x80: {  	_ =	shalt  }
0x81: {  	_ =	shalt  }
0x82: {  	_ =	shalt  }
0x83: {  	_ =	shalt  }
0x84: {  	_ =	shalt  }
0x85: {  	_ =	shalt  }
0x86: {  	_ =	shalt  }
0x87: {  	_ =	shalt  }
.Lfunc_end0:
.L_simem_size_0:
called_computation_lowered:
.L_overlay_start_0:
0x88: {  	s2 =	sld [smem:$0x3FD9]  }
0x89: {  	s3 =	sld [smem:$0x3FFE];
	_ =	sdelay $0x1  }
0x8a: {  	s1 =	srdreg.scid  }
0x8b: {  	s0 =	sand.u32 $0x1, s1  }
0x8c: {  	s17 =	sshll.u32 s0, $0xA;
	s2 =	sadd.s32 s3, s2  }
0x8d: {  	s2 =	sadd.s32 s2, s17  }
0x8e: {  	[smem:$0x3FBE] =	sst s2  }
0x8f: {  	_ = 	snop  }
0x90: {  	s2 =	sld [smem:$0x3FD0];
	(tm) =	ssettm $0x1  }
0x91: {  	s18 =	sld [smem:$0x3FFB];
	_ =	sdelay $0x3  }
0x92: {  	_ =	strace s18  }
0x93: {  	s3 =	sld [smem:$0x3FFC];
	_ =	sdelay $0x3  }
0x94: {  	_ =	strace s3  }
0x95: {  	s3 =	sld [smem:$0x3FFD];
	_ =	sdelay $0x3  }
0x96: {  	_ =	strace s3  }
0x97: {  	_ =	strace $0x8FFFFFFF  }
0x98: {  	s19 =	sld [smem:$0x3FDB];
	_ =	sdelay $0x1  }
0x99: {  	s4 =	simm.s32 $_scs_section_size  }
0x9a: {  	s5 =	simm.s32 $_size__tile_overlayer_lowered;
	s6 =	simm.s32 $_tile_overlayer_lowered  }
0x9b: {  	s22 =	simm.s32 $0x1BFF;
	s21 =	sshll.u32 s6, $0x1;
	s3 =	sadd.s32 s4, s19  }
0x9c: {  	s7 =	simm.s32 $0x0;
	s20 =	sshll.u32 s5, $0x1;
	s5 =	sadd.s32 s21, s3  }
0x9d: {  	[timem:s7], [sflag:s22] =	dma.local [hbm:s5], s20  }
0x9e: {  	_ =	swait.ge [sflag:s22], s20  }
0x9f: {  	s4 =	ssub.s32 $0x0, s20;
	[sflag:s22] =	ssyncset.done $0x0  }
0xa0: {  	[sflag:s22] =	ssyncadd.s32 s4;
	_ =	sdelay $0x1  }
0xa1: {  	s23 =	simm.s32 $0x1B8B  }
0xa2: {  	_ =	swait.ge [sflag:s23], $0x1  }
0xa3: {  	[sflag:s23] =	ssyncset.done $0x0  }
0xa4: {  	s25 =	simm.s32 $0x1B8E;
	s24 =	sld [smem:$0x3FFE];
	[sflag:s23] =	ssyncadd.s32 $0xFFFFFFFF  }
0xa5: {  	s26 =	simm.s32 $execute0_lowered;
	[smem:$0x3FD2] =	sst s25  }
0xa6: {  	s5 =	sshll.u32 s26, $0x1;
	_ =	strace $0x80000046;
	[dreg:$0x1] =	wrdreg $0xFFFFFFFF  }
0xa7: {  	s28 =	simm.s32 $_size_execute0_lowered;
	s3 =	sadd.s32 s3, s5;
	[dreg:$0x0] =	wrdreg $0x0  }
0xa8: {  	s5 =	sshll.u32 s28, $0x1;
	[dreg:$0x2] =	wrdreg s3  }
0xa9: {  	[dreg:$0x3] =	wrdreg s5  }
0xaa: {  	[dreg:$0x4] =	wrdreg $0xC0  }
0xab: {  	_ =	task [dreg:s7], $0x5FFFF  }
0xac: {  	[dreg:$0x1] =	wrdreg $0xFFFFFFFF  }
0xad: {  	[dreg:$0x0] =	wrdreg $0x60  }
0xae: {  	[dreg:$0x2] =	wrdreg s2  }
0xaf: {  	[dreg:$0x3] =	wrdreg s24  }
0xb0: {  	[dreg:$0x4] =	wrdreg $0x68000  }
0xb1: {  	[dreg:$0x5] =	wrdreg $0x9  }
0xb2: {  	_ =	task.clear_ibuf [dreg:s7], $0x6FFFF;
	_ =	strace $0x90000046  }
0xb3: {  	s29 =	simm.s32 $0x9;
	_ =	strace $0x80000048  }
0xb4: {  	_ =	swait.ge [sflag:s29], $0x1  }
0xb5: {  	[sflag:s29] =	ssyncadd.s32 $0xFFFFFFFF  }
0xb6: {  	_ =	strace $0x90000048  }
0xb7: {  	_ =	sfence  }
0xb8: {  	s30 =	sld [smem:$0x0];
	_ =	sdelay $0x2  }
0xb9: {  	s31 =	sshll.u32 s1, $0xD;
	s1 =	sshrl.u32 s1, $0x2  }
0xba: {  	s3 =	sand.u32 $0x4000, s31;
	s1 =	sadd.s32 s1, s30  }
0xbb: {  	s0 =	sor.u32 s3, s0;
	s1 =	sshll.u32 s1, $0x11  }
0xbc: {  	s0 =	sor.u32 s1, s0  }
0xbd: {  	s0 =	sadd.s32 $0x8F2B, s0  }
0xbe: {  	[sflag:s0] =	ssyncadd.remote.s32 $0x1  }
0xbf: {  	_ =	sfence.sel $0xFFFF  }
0xc0: {  	[dreg:$0x0] =	wrdreg $0xFFFFFFFF;
	(pc) =	sbr.abs _section_cstart, $3  }
0xc1: {  	[dreg:$0x1] =	wrdreg $0xFFFFFFFF  }
0xc2: {  	_ =	task.clear_ibuf [dreg:s7], $0x2FFFF;
	_ =	strace $0x9FFFFFFF  }
0xc3: {  	(tm) =	ssettm $0x7FFFFFFF  }
tec
execute0_lowered:
.L_overlay_start_1:
0x0: {  	(tag) =	ssettag $0x1  }
0x1: {  	s5 =	rddreg [dreg:$0x0]  }
0x2: {  	s4 =	rddreg [dreg:$0x1]  }
0x3: {  	s1 =	srdreg.scid;
	s0 =	stileid.u32  }
0x4: {  	s2 =	rddreg [dreg:$0x2];
	s3 =	simm.s32 $0x0;
	s12 =	simm.s32 $0x4000  }
0x5: {  	s13 =	simm.s32 $0x1;
	s14 =	simm.s32 $0x80;
	s17 =	simm.s32 $0x0  }
0x6: {  	s6 =	sand.u32 $0x1, s1;
	s7 =	smul.u32 $0x2800, s0;
	s1 =	rddreg [dreg:$0x3]  }
0x7: {  	[smem:$0x7FF] =	sst s3;
	s10 =	smul.u32 $0x50000, s0;
	s15 =	sshll.u32 s0, $0x6  }
0x8: {  	s8 =	smul.u32 $0x28000, s6;
	s9 =	sshll.u32 s6, $0x4;
	_ =	strace $0x80000047  }
0x9: {  	s6 =	ssub.s32 $0x2, s6;
	s15 =	sor.u32 $0x1C01, s15;
	s28 =	sor.u32 s0, s9  }
0xa: {  	s31 =	sshrl.u32 s6, $0x1;
	s7 =	sadd.s32 s7, s8;
	s8 =	smul.u32 $0x500, s28  }
0xb: {  	s29 =	sshrl.u32 s10, $0x2;
	s11 =	ssub.s32 s6, s31;
	s30 =	sadd.s32 s7, s4  }
0xc: {  	s4 =	sadd.s32 s29, s2;
	s11 =	smax.u32 s11, $0x1;
	s5 =	sadd.s32 s5, s8  }
0xd: {  	s6 =	sadd.s32 $0x4000, s4;
	s7 =	sadd.s32 $0x8000, s4;
	s8 =	sadd.s32 $0xC000, s4  }
0xe: {  	v0 =	vimm.f32 $0.0e+00;
	v1 =	vimm.f32 $1.000000000e+00;
	s9 =	sadd.s32 $0x10000, s4;
	s10 =	sadd.s32 $0x1A00, s30;
	s16 =	sshrl.u32 s4, $0x3  }
.LBB2_1:
0xf: {  	[tilespmem:s12], [sflag:$0x1] =	stream.linear.gather [hbm4b:s5+s3], $0x2780, $0x38;
	[tilespmem:$0x1A800] =	vst v63  }
0x10: {  	_ =	swait.ge [sflag:s13], $0x2780  }
0x11: {  	[sflag:s13] =	ssyncset.done $0x0  }
0x12: {  	s18 =	simm.s32 $0x0;
	s19 =	simm.s32 $0x200;
	[sflag:s13] =	ssyncadd.s32 $0xFFFFD880  }
.LBB2_2:
0x13: {  	p0 =	sne.s32 s19, $0xFE00;
	[tilespmem:s18+$0x70] =	vst v0  }
0x14: {  	[tilespmem:s18+$0x0] =	vst v0  }
0x15: {  	[tilespmem:s18+$0x10] =	vst v0  }
.Ltmp0:
0x16: {  	[tilespmem:s18+$0x20] =	vst v0;
	(pc) =	sbr.rel @p0 .LBB2_2-.Ltmp0, $4  }
0x17: {  	[tilespmem:s18+$0x30] =	vst v0  }
0x18: {  	[tilespmem:s18+$0x40] =	vst v0  }
0x19: {  	[tilespmem:s18+$0x50] =	vst v0  }
0x1a: {  	[tilespmem:s18+$0x60] =	vst v0;
	s18 =	sshra.s32 s19, $0x2;
	s19 =	sadd.s32 $0x200, s19  }
0x1b: {  	[tilespmem:s18+$0x70] =	vst v0  }
0x1c: {  	[tilespmem:s18+$0x0] =	vst v0  }
0x1d: {  	[tilespmem:s18+$0x10] =	vst v0  }
0x1e: {  	[tilespmem:s18+$0x20] =	vst v0  }
0x1f: {  	[tilespmem:s18+$0x30] =	vst v0  }
0x20: {  	[tilespmem:s18+$0x40] =	vst v0  }
0x21: {  	[tilespmem:s18+$0x50] =	vst v0  }
0x22: {  	[tilespmem:s18+$0x60] =	vst v0;
	s31 =	simm.s32 $0x0  }
0x23: {  	[spmem:s4] =	stream.linear.scatter [tilespmem:s31], [sflag:$0x1], $0x4000, $0x38;
	[tilespmem:$0x1A800] =	vst v63  }
0x24: {  	_ =	swait.ge [sflag:s13], $0x4000  }
0x25: {  	[sflag:s13] =	ssyncset.done $0x0  }
0x26: {  	[sflag:s13] =	ssyncadd.s32 $0xFFFFC000  }
0x27: {  	[spmem:s6] =	stream.linear.scatter [tilespmem:s31], [sflag:$0x1], $0x4000, $0x38;
	[tilespmem:$0x1A800] =	vst v63  }
0x28: {  	_ =	swait.ge [sflag:s13], $0x4000  }
0x29: {  	[sflag:s13] =	ssyncset.done $0x0  }
0x2a: {  	[sflag:s13] =	ssyncadd.s32 $0xFFFFC000  }
0x2b: {  	[spmem:s7] =	stream.linear.scatter [tilespmem:s31], [sflag:$0x1], $0x4000, $0x38;
	[tilespmem:$0x1A800] =	vst v63  }
0x2c: {  	_ =	swait.ge [sflag:s13], $0x4000  }
0x2d: {  	[sflag:s13] =	ssyncset.done $0x0  }
0x2e: {  	[sflag:s13] =	ssyncadd.s32 $0xFFFFC000  }
0x2f: {  	[spmem:s8] =	stream.linear.scatter [tilespmem:s31], [sflag:$0x1], $0x4000, $0x38;
	[tilespmem:$0x1A800] =	vst v63  }
0x30: {  	_ =	swait.ge [sflag:s13], $0x4000  }
0x31: {  	[sflag:s13] =	ssyncset.done $0x0  }
0x32: {  	[sflag:s13] =	ssyncadd.s32 $0xFFFFC000  }
0x33: {  	[spmem:s9] =	stream.linear.scatter [tilespmem:s31], [sflag:$0x1], $0x4000, $0x38;
	[tilespmem:$0x1A800] =	vst v63  }
0x34: {  	_ =	swait.ge [sflag:s13], $0x4000  }
0x35: {  	[sflag:s13] =	ssyncset.done $0x0  }
0x36: {  	s18 =	simm.s32 $0x0;
	s19 =	simm.s32 $0x200;
	[sflag:s13] =	ssyncadd.s32 $0xFFFFC000  }
.LBB2_4:
0x37: {  	p0 =	sne.s32 s19, $0xFE00;
	[tilespmem:s18+$0x70] =	vst v1  }
0x38: {  	[tilespmem:s18+$0x0] =	vst v1  }
0x39: {  	[tilespmem:s18+$0x10] =	vst v1  }
.Ltmp1:
0x3a: {  	[tilespmem:s18+$0x20] =	vst v1;
	(pc) =	sbr.rel @p0 .LBB2_4-.Ltmp1, $4  }
0x3b: {  	[tilespmem:s18+$0x30] =	vst v1  }
0x3c: {  	[tilespmem:s18+$0x40] =	vst v1  }
0x3d: {  	[tilespmem:s18+$0x50] =	vst v1  }
0x3e: {  	[tilespmem:s18+$0x60] =	vst v1;
	s18 =	sshra.s32 s19, $0x2;
	s19 =	sadd.s32 $0x200, s19  }
0x3f: {  	[tilespmem:s18+$0x70] =	vst v1  }
0x40: {  	[tilespmem:s18+$0x0] =	vst v1  }
0x41: {  	[tilespmem:s18+$0x10] =	vst v1  }
0x42: {  	[tilespmem:s18+$0x20] =	vst v1  }
0x43: {  	[tilespmem:s18+$0x30] =	vst v1  }
0x44: {  	[tilespmem:s18+$0x40] =	vst v1  }
0x45: {  	[tilespmem:s18+$0x50] =	vst v1  }
0x46: {  	[tilespmem:s18+$0x60] =	vst v1  }
0x47: {  	s31 =	simm.s32 $0x4000;
	[bflag:$0x0] =	sbarrier.arrive $0xFFFF  }
0x48: {  	[spmem:s2] =	stream.indirect.scatter.add.f32 [tilespmem:s3], [sflag:$0x1], $0x80, s31, s14, $0xb8;
	[tilespmem:$0x1A800] =	vst v63  }
0x49: {  	s18 =	simm.s32 $0x200;
	_ =	swait.ge [sflag:s13], $0x4000  }
.LBB2_6:
0x4a: {  	s19 =	sshra.s32 s18, $0x2;
	[sflag:s13] =	ssyncset.done $0x0;
	p0 =	sne.s32 s18, $0x9C00  }
.Ltmp2:
0x4b: {  	s19 =	sadd.s32 $0x4000, s19;
	[sflag:s13] =	ssyncadd.s32 $0xFFFFC000;
	(pc) =	sbr.rel @p0 .LBB2_6-.Ltmp2, $3  }
0x4c: {  	[spmem:s2] =	stream.indirect.scatter.add.f32 [tilespmem:s3], [sflag:$0x1], $0x80, s19, s14, $0xb8;
	[tilespmem:$0x1A800] =	vst v63  }
0x4d: {  	s18 =	sadd.s32 $0x200, s18;
	_ =	sdelay $0x1  }
0x4e: {  	_ =	swait.ge [sflag:s13], $0x4000  }
0x4f: {  	[sflag:s13] =	ssyncset.done $0x0;
	s17 =	sadd.s32 $0x1, s17  }
0x50: {  	[sflag:s13] =	ssyncadd.s32 $0xFFFFC000;
	p0 =	sne.s32 s17, s11  }
.Ltmp3:
0x51: {  	[bflag:$0x0] =	sbarrier.arrive $0xFFFF;
	(pc) =	sbr.rel @p0 .LBB2_1-.Ltmp3, $4  }
0x52: {  	[hbm:s10], [sflag:s15] =	dma.local [spmem:s16], $0x2800  }
0x53: {  	_ =	swait.ge [sflag:s13], $0x2800  }
0x54: {  	[sflag:s13] =	ssyncset.done $0x0  }
0x55: {  	[sflag:s13] =	ssyncadd.s32 $0xFFFFD800  }
0x56: {  	_ =	sfence.sel $0x180000  }
0x57: {  	[bflag:$0x0] =	sbarrier.arrive $0xFFFF  }
0x58: {  	p0 =	sne.s32 s0, $0x0;
	_ =	strace $0x90000047  }
0x59: {  	s0 =	sadd.s32 @!p0 $0x100000, s1;
	[bflag:$0x2] =	sbarrier.arrive $0xFFFF  }
0x5a: {  	[sflag:s0] =	ssyncadd.tile.s32 @!p0 $0x1;
	_ =	shalt  }
.Lfunc_end2:
_tile_overlayer_lowered:
.L_overlay_start_2:
0x5b: {  	(tag) =	ssettag $0x2  }
0x5c: {  	s0 =	rddreg [dreg:$0x0];
	s2 =	stileid.u32  }
0x5d: {  	s1 =	rddreg [dreg:$0x1];
	p0 =	sne.s32 s2, $0x0  }
0x5e: {  	s3 =	rddreg [dreg:$0x2];
	[bflag:$0x3] =	sbarrier.arrive $0xFFFF;
	s2 =	simm.s32 @!p0 $0x1C01  }
0x5f: {  	[timem:s3], [sflag:s2] =	dma.local @!p0 [hbm:s0], s1  }
0x60: {  	s0 =	simm.s32 @!p0 $0x1  }
0x61: {  	_ =	swait.ge @!p0 [sflag:s0], s1  }
0x62: {  	s1 =	ssub.s32 @!p0 $0x0, s1;
	[sflag:s0] =	ssyncset.done @!p0 $0x0  }
0x63: {  	[sflag:s0] =	ssyncadd.s32 @!p0 s1  }
0x64: {  	[bflag:$0x3] =	sbarrier.arrive $0xFFFF  }
0x65: {  	_ =	shalt  }

</sc_bundles>
